<compile_context>
chip_gen: v7x
topology: tpu7x:2x2x1
jax: 0.10.2.dev20260603
libtpu: 0.0.44.dev20260713+nightly
codegen_flags: <defaults>
</compile_context>

<pallas_src>
import jax
import jax.numpy as jnp
from jax import lax
from jax.experimental import pallas as pl
from jax.experimental.pallas import tpu as pltpu
from jax.experimental.pallas import tpu_sc as plsc

B, S, H = 64, 2048, 768
E, HID, L = 64, 512, 4

BB = 8
SB = 512
K = 4


def _routing_body(species_hbm, meta_hbm, idx_v, pres_v, meta_v):
    first = (lax.axis_index("c") == 0) & (lax.axis_index("s") == 0)

    @pl.when(first)
    def _():
        pltpu.sync_copy(species_hbm, idx_v)
        zeros = jnp.zeros((16,), jnp.int32)
        ones = jnp.ones((16,), jnp.int32)
        for j in range(E // 16):
            pres_v[pl.ds(j * 16, 16)] = zeros
        mx = jnp.int32(0)
        for j in range(B // 16):
            v = idx_v[pl.ds(j * 16, 16)]
            plsc.store_scatter(pres_v, [v], ones)
            mx = jnp.maximum(mx, jnp.max(v))
        mxv = jnp.full((16,), mx, jnp.int32)
        for j in range(E // 16):
            meta_v[pl.ds(j * 16, 16)] = mxv
        carry = jnp.int32(0)
        for j in range(E // 16):
            p = pres_v[pl.ds(j * 16, 16)]
            incl = plsc.cumsum(p)
            pos = incl - p + carry
            evec = lax.iota(jnp.int32, 16) + jnp.int32(16 * j)
            plsc.store_scatter(meta_v, [pos], evec, mask=(p == 1))
            carry = carry + jnp.sum(p)
        meta_v[pl.ds(E, 16)] = jnp.full((16,), carry, jnp.int32)
        pltpu.sync_copy(meta_v, meta_hbm)


def _route(species_idx):
    f = pl.kernel(
        _routing_body,
        compiler_params=pltpu.CompilerParams(needs_layout_passes=False),
        out_type=jax.ShapeDtypeStruct((E + 16,), jnp.int32),
        mesh=plsc.VectorSubcoreMesh(core_axis_name="c", subcore_axis_name="s"),
        scratch_types=[
            pltpu.VMEM((B,), jnp.int32),
            pltpu.VMEM((E,), jnp.int32),
            pltpu.VMEM((E + 16,), jnp.int32),
        ],
    )
    return f(species_idx)


def _pool_body(h_ref, out_ref):
    j = pl.program_id(1)
    partial = jnp.sum(h_ref[...], axis=1)

    @pl.when(j == 0)
    def _():
        out_ref[...] = partial

    @pl.when(j > 0)
    def _():
        out_ref[...] = out_ref[...] + partial

    @pl.when(j == pl.num_programs(1) - 1)
    def _():
        pooled = out_ref[...] * (1.0 / S)
        mu = jnp.mean(pooled, axis=1, keepdims=True)
        var = jnp.mean((pooled - mu) ** 2, axis=1, keepdims=True)
        out_ref[...] = (pooled - mu) * jax.lax.rsqrt(var + 1e-5)


def _mlp_body(meta_ref, species_ref, xn_ref, g_ref, b_ref, w1a_ref, w1b_ref,
              w1c_ref, w1d_ref, b1_ref, w2_ref, b2_ref, out_ref):
    i = pl.program_id(0)

    @pl.when(i == 0)
    def _():
        out_ref[...] = jnp.zeros_like(out_ref)

    xn = xn_ref[...]
    for k, w1_ref in enumerate((w1a_ref, w1b_ref, w1c_ref, w1d_ref)):
        @pl.when(i * K + k < meta_ref[E])
        def _(k=k, w1_ref=w1_ref):
            e = meta_ref[i * K + k]
            mask = species_ref[...] == e
            x = xn * g_ref[e, :, :] + b_ref[e, :, :]
            h = jnp.dot(x, w1_ref[0], preferred_element_type=jnp.float32)
            h = h + b1_ref[e, :, :]
            h = 0.5 * h * (1.0 + jax.lax.erf(h * 0.7071067811865476))
            logits = jax.lax.dot_general(
                h, w2_ref[e], (((1,), (1,)), ((), ())),
                preferred_element_type=jnp.float32)
            logits = logits + b2_ref[e, :, :]
            out_ref[...] = out_ref[...] + jnp.where(mask, logits, 0.0)


def kernel(hidden_states, species_idx, ln_g, ln_b, W1, b1, W2, b2):
    species_i32 = species_idx.astype(jnp.int32)
    meta = _route(species_i32)

    xn = pl.pallas_call(
        _pool_body,
        grid=(B // BB, S // SB),
        in_specs=[pl.BlockSpec((BB, SB, H), lambda i, j: (i, j, 0))],
        out_specs=pl.BlockSpec((BB, H), lambda i, j: (i, 0)),
        out_shape=jax.ShapeDtypeStruct((B, H), jnp.float32),
    )(hidden_states)

    species2d = jnp.broadcast_to(species_i32.reshape(B, 1), (B, L))
    w2t = jnp.swapaxes(W2, 1, 2)

    def w1_lane(k):
        return pl.BlockSpec((1, H, HID), lambda i, meta: (meta[i * K + k],
                                                          0, 0))

    grid_spec = pltpu.PrefetchScalarGridSpec(
        num_scalar_prefetch=1,
        grid=(E // K,),
        in_specs=[
            pl.BlockSpec((B, L), lambda i, meta: (0, 0)),
            pl.BlockSpec((B, H), lambda i, meta: (0, 0)),
            pl.BlockSpec((E, 1, H), lambda i, meta: (0, 0, 0)),
            pl.BlockSpec((E, 1, H), lambda i, meta: (0, 0, 0)),
            w1_lane(0),
            w1_lane(1),
            w1_lane(2),
            w1_lane(3),
            pl.BlockSpec((E, 1, HID), lambda i, meta: (0, 0, 0)),
            pl.BlockSpec((E, L, HID), lambda i, meta: (0, 0, 0)),
            pl.BlockSpec((E, 1, L), lambda i, meta: (0, 0, 0)),
        ],
        out_specs=pl.BlockSpec((B, L), lambda i, meta: (0, 0)),
    )

    logits = pl.pallas_call(
        _mlp_body,
        grid_spec=grid_spec,
        out_shape=jax.ShapeDtypeStruct((B, L), jnp.float32),
    )(meta, species2d, xn, ln_g.reshape(E, 1, H), ln_b.reshape(E, 1, H),
      W1, W1, W1, W1,
      b1.reshape(E, 1, HID), w2t, b2.reshape(E, 1, L))
    return logits

# --- scband reference (transcript-rebuilt; emitter-appended) ---
"""Pipeline reference for scband-species-specific-projection-head-28802050687054 (READ-ONLY COPY).

The authoritative reference and input builder live on the scoring server;
editing this copy changes nothing except your own understanding.
"""

import jax, jax.numpy as jnp
import numpy as np

B, S, H = 64, 2048, 768
E, HID, L = 64, 512, 4


def setup_inputs(seed: int = 0) -> dict:
    key = jax.random.key(seed)
    ks = jax.random.split(key, 6)
    hidden_states = jax.random.normal(ks[0], (B, S, H), dtype=jnp.float32)
    species_idx = jax.random.randint(ks[1], (B,), 0, E)
    # Per-species parameters stacked along a leading expert axis.
    ln_g = jnp.ones((E, H), dtype=jnp.float32)
    ln_b = jnp.zeros((E, H), dtype=jnp.float32)
    W1 = jax.random.normal(ks[2], (E, H, HID), dtype=jnp.float32) * (1.0 / np.sqrt(H))
    b1 = jnp.zeros((E, HID), dtype=jnp.float32)
    W2 = jax.random.normal(ks[3], (E, HID, L), dtype=jnp.float32) * (1.0 / np.sqrt(HID))
    b2 = jnp.zeros((E, L), dtype=jnp.float32)
    return {
        "hidden_states": hidden_states,
        "species_idx": species_idx,
        "ln_g": ln_g,
        "ln_b": ln_b,
        "W1": W1,
        "b1": b1,
        "W2": W2,
        "b2": b2,
    }


def reference(hidden_states, species_idx, ln_g, ln_b, W1, b1, W2, b2):
    # mean pooling over the sequence dimension
    pooled = hidden_states.mean(axis=1)  # [B, H]
    # gather per-sample (per-species) parameters -> routing by species_idx
    g = ln_g[species_idx]   # [B, H]
    bb = ln_b[species_idx]  # [B, H]
    w1 = W1[species_idx]    # [B, H, HID]
    bb1 = b1[species_idx]   # [B, HID]
    w2 = W2[species_idx]    # [B, HID, L]
    bb2 = b2[species_idx]   # [B, L]
    # LayerNorm (eps matches torch default 1e-5, biased variance)
    mu = pooled.mean(axis=-1, keepdims=True)
    var = jnp.mean((pooled - mu) ** 2, axis=-1, keepdims=True)
    x = (pooled - mu) / jnp.sqrt(var + 1e-5) * g + bb
    # per-species MLP: Linear -> GELU(exact) -> Linear
    h = jnp.einsum('bh,bhd->bd', x, w1) + bb1
    h = jax.nn.gelu(h, approximate=False)
    logits = jnp.einsum('bd,bdl->bl', h, w2) + bb2
    return logits

if __name__ == "__main__":
    import jax
    _d = setup_inputs()
    print(jax.jit(kernel)(*tuple(_d.values())))

</pallas_src>

<mosaic_0001>
#map = affine_map<(d0, d1) -> (0)>
module attributes {stable_mosaic.version = 14 : i64} {
  func.func @_routing_body(%arg0: i32, %arg1: i32, %arg2: memref<64xi32, #tpu.memory_space<hbm>>, %arg3: memref<80xi32, #tpu.memory_space<hbm>>, %arg4: memref<64xi32, #tpu.memory_space<vmem>>, %arg5: memref<64xi32, #tpu.memory_space<vmem>>, %arg6: memref<80xi32, #tpu.memory_space<vmem>>) attributes {dimension_semantics = [#tpu.dimension_semantics<core_parallel>, #tpu.dimension_semantics<subcore_parallel>], iteration_bounds = array<i64: 2, 16>, scalar_prefetch = 0 : i64, scratch_operands = 3 : i64, tpu.core_type = #tpu.core_type<sc_vector_subcore>, window_params = [{transform_indices = #map}, {transform_indices = #map}]} {
    %eq3A = arith.constant 0 : i32
    %eq3A_0 = arith.cmpi eq, %arg0, %eq3A : i32
    %eq3A_1 = arith.constant 0 : i32
    %eq3A_2 = arith.cmpi eq, %arg1, %eq3A_1 : i32
    %and3A = arith.andi %eq3A_0, %eq3A_2 : i1
    %convert_element_type3A = arith.extui %and3A : i1 to i32
    %cond3A = arith.constant 0 : i32
    %cond3A_3 = arith.cmpi ne, %convert_element_type3A, %cond3A : i32
    scf.if %cond3A_3 {
      "tpu.region"() ({
        %run_scoped3A = tpu.sem_alloc : memref<!tpu.dma_semaphore, #tpu.memory_space<semaphore_mem>>
        tpu.enqueue_dma source(%arg2 : memref<64xi32, #tpu.memory_space<hbm>>) target(%arg4 : memref<64xi32, #tpu.memory_space<vmem>>) target_semaphore(%run_scoped3A : memref<!tpu.dma_semaphore, #tpu.memory_space<semaphore_mem>>)
        tpu.wait_dma2 semaphore(%run_scoped3A : memref<!tpu.dma_semaphore, #tpu.memory_space<semaphore_mem>>) src(%arg2 : memref<64xi32, #tpu.memory_space<hbm>>) dst(%arg4 : memref<64xi32, #tpu.memory_space<vmem>>)
        tpu.yield
      }) : () -> ()
      %broadcast_in_dim3A = arith.constant 0 : i32
      %broadcast_in_dim3A_4 = vector.broadcast %broadcast_in_dim3A : i32 to vector<16xi32>
      %broadcast_in_dim3A_5 = arith.constant 1 : i32
      %broadcast_in_dim3A_6 = vector.broadcast %broadcast_in_dim3A_5 : i32 to vector<16xi32>
      %swap3A = arith.constant 0 : index
      %swap3A_7 = tpu.vector_load %arg5[%swap3A] {strides = array<i32>} : memref<64xi32, #tpu.memory_space<vmem>>, vector<16xi32>,
      tpu.vector_store %arg5[%swap3A], %broadcast_in_dim3A_4 {strides = array<i32>} : memref<64xi32, #tpu.memory_space<vmem>>, vector<16xi32>,
      %swap3A_8 = arith.constant 16 : index
      %swap3A_9 = tpu.vector_load %arg5[%swap3A_8] {strides = array<i32>} : memref<64xi32, #tpu.memory_space<vmem>>, vector<16xi32>,
      tpu.vector_store %arg5[%swap3A_8], %broadcast_in_dim3A_4 {strides = array<i32>} : memref<64xi32, #tpu.memory_space<vmem>>, vector<16xi32>,
      %swap3A_10 = arith.constant 32 : index
      %swap3A_11 = tpu.vector_load %arg5[%swap3A_10] {strides = array<i32>} : memref<64xi32, #tpu.memory_space<vmem>>, vector<16xi32>,
      tpu.vector_store %arg5[%swap3A_10], %broadcast_in_dim3A_4 {strides = array<i32>} : memref<64xi32, #tpu.memory_space<vmem>>, vector<16xi32>,
      %swap3A_12 = arith.constant 48 : index
      %swap3A_13 = tpu.vector_load %arg5[%swap3A_12] {strides = array<i32>} : memref<64xi32, #tpu.memory_space<vmem>>, vector<16xi32>,
      tpu.vector_store %arg5[%swap3A_12], %broadcast_in_dim3A_4 {strides = array<i32>} : memref<64xi32, #tpu.memory_space<vmem>>, vector<16xi32>,
      %get3A = arith.constant 0 : index
      %get3A_14 = tpu.vector_load %arg4[%get3A] {strides = array<i32>} : memref<64xi32, #tpu.memory_space<vmem>>, vector<16xi32>,
      tpu.vector_store_idx %arg5[%get3A_14], %broadcast_in_dim3A_6 : memref<64xi32, #tpu.memory_space<vmem>>[vector<16xi32>], vector<16xi32>,
      %reduce_max3A = arith.constant true
      %reduce_max3A_15 = vector.broadcast %reduce_max3A : i1 to vector<16xi1>
      %reduce_max3A_16 = arith.constant -2147483648 : i32
      %reduce_max3A_17 = vector.broadcast %reduce_max3A_16 : i32 to vector<16xi32>
      %reduce_max3A_18 = arith.xori %get3A_14, %reduce_max3A_17 : vector<16xi32>
      %reduce_max3A_19 = tpu.scan <max>, %reduce_max3A_18 masked %reduce_max3A_15 : vector<16xi32>, vector<16xi1> -> vector<16xi32>
      %reduce_max3A_20 = arith.xori %reduce_max3A_19, %reduce_max3A_17 : vector<16xi32>
      %reduce_max3A_21 = vector.extract %reduce_max3A_20[15] : i32 from vector<16xi32>
      %max3A = arith.constant 0 : i32
      %max3A_22 = arith.maxsi %max3A, %reduce_max3A_21 : i32
      %get3A_23 = arith.constant 16 : index
      %get3A_24 = tpu.vector_load %arg4[%get3A_23] {strides = array<i32>} : memref<64xi32, #tpu.memory_space<vmem>>, vector<16xi32>,
      tpu.vector_store_idx %arg5[%get3A_24], %broadcast_in_dim3A_6 : memref<64xi32, #tpu.memory_space<vmem>>[vector<16xi32>], vector<16xi32>,
      %reduce_max3A_25 = arith.constant true
      %reduce_max3A_26 = vector.broadcast %reduce_max3A_25 : i1 to vector<16xi1>
      %reduce_max3A_27 = arith.constant -2147483648 : i32
      %reduce_max3A_28 = vector.broadcast %reduce_max3A_27 : i32 to vector<16xi32>
      %reduce_max3A_29 = arith.xori %get3A_24, %reduce_max3A_28 : vector<16xi32>
      %reduce_max3A_30 = tpu.scan <max>, %reduce_max3A_29 masked %reduce_max3A_26 : vector<16xi32>, vector<16xi1> -> vector<16xi32>
      %reduce_max3A_31 = arith.xori %reduce_max3A_30, %reduce_max3A_28 : vector<16xi32>
      %reduce_max3A_32 = vector.extract %reduce_max3A_31[15] : i32 from vector<16xi32>
      %max3A_33 = arith.maxsi %max3A_22, %reduce_max3A_32 : i32
      %get3A_34 = arith.constant 32 : index
      %get3A_35 = tpu.vector_load %arg4[%get3A_34] {strides = array<i32>} : memref<64xi32, #tpu.memory_space<vmem>>, vector<16xi32>,
      tpu.vector_store_idx %arg5[%get3A_35], %broadcast_in_dim3A_6 : memref<64xi32, #tpu.memory_space<vmem>>[vector<16xi32>], vector<16xi32>,
      %reduce_max3A_36 = arith.constant true
      %reduce_max3A_37 = vector.broadcast %reduce_max3A_36 : i1 to vector<16xi1>
      %reduce_max3A_38 = arith.constant -2147483648 : i32
      %reduce_max3A_39 = vector.broadcast %reduce_max3A_38 : i32 to vector<16xi32>
      %reduce_max3A_40 = arith.xori %get3A_35, %reduce_max3A_39 : vector<16xi32>
      %reduce_max3A_41 = tpu.scan <max>, %reduce_max3A_40 masked %reduce_max3A_37 : vector<16xi32>, vector<16xi1> -> vector<16xi32>
      %reduce_max3A_42 = arith.xori %reduce_max3A_41, %reduce_max3A_39 : vector<16xi32>
      %reduce_max3A_43 = vector.extract %reduce_max3A_42[15] : i32 from vector<16xi32>
      %max3A_44 = arith.maxsi %max3A_33, %reduce_max3A_43 : i32
      %get3A_45 = arith.constant 48 : index
      %get3A_46 = tpu.vector_load %arg4[%get3A_45] {strides = array<i32>} : memref<64xi32, #tpu.memory_space<vmem>>, vector<16xi32>,
      tpu.vector_store_idx %arg5[%get3A_46], %broadcast_in_dim3A_6 : memref<64xi32, #tpu.memory_space<vmem>>[vector<16xi32>], vector<16xi32>,
      %reduce_max3A_47 = arith.constant true
      %reduce_max3A_48 = vector.broadcast %reduce_max3A_47 : i1 to vector<16xi1>
      %reduce_max3A_49 = arith.constant -2147483648 : i32
      %reduce_max3A_50 = vector.broadcast %reduce_max3A_49 : i32 to vector<16xi32>
      %reduce_max3A_51 = arith.xori %get3A_46, %reduce_max3A_50 : vector<16xi32>
      %reduce_max3A_52 = tpu.scan <max>, %reduce_max3A_51 masked %reduce_max3A_48 : vector<16xi32>, vector<16xi1> -> vector<16xi32>
      %reduce_max3A_53 = arith.xori %reduce_max3A_52, %reduce_max3A_50 : vector<16xi32>
      %reduce_max3A_54 = vector.extract %reduce_max3A_53[15] : i32 from vector<16xi32>
      %max3A_55 = arith.maxsi %max3A_44, %reduce_max3A_54 : i32
      %broadcast_in_dim3A_56 = vector.broadcast %max3A_55 : i32 to vector<16xi32>
      %swap3A_57 = arith.constant 0 : index
      %swap3A_58 = tpu.vector_load %arg6[%swap3A_57] {strides = array<i32>} : memref<80xi32, #tpu.memory_space<vmem>>, vector<16xi32>,
      tpu.vector_store %arg6[%swap3A_57], %broadcast_in_dim3A_56 {strides = array<i32>} : memref<80xi32, #tpu.memory_space<vmem>>, vector<16xi32>,
      %swap3A_59 = arith.constant 16 : index
      %swap3A_60 = tpu.vector_load %arg6[%swap3A_59] {strides = array<i32>} : memref<80xi32, #tpu.memory_space<vmem>>, vector<16xi32>,
      tpu.vector_store %arg6[%swap3A_59], %broadcast_in_dim3A_56 {strides = array<i32>} : memref<80xi32, #tpu.memory_space<vmem>>, vector<16xi32>,
      %swap3A_61 = arith.constant 32 : index
      %swap3A_62 = tpu.vector_load %arg6[%swap3A_61] {strides = array<i32>} : memref<80xi32, #tpu.memory_space<vmem>>, vector<16xi32>,
      tpu.vector_store %arg6[%swap3A_61], %broadcast_in_dim3A_56 {strides = array<i32>} : memref<80xi32, #tpu.memory_space<vmem>>, vector<16xi32>,
      %swap3A_63 = arith.constant 48 : index
      %swap3A_64 = tpu.vector_load %arg6[%swap3A_63] {strides = array<i32>} : memref<80xi32, #tpu.memory_space<vmem>>, vector<16xi32>,
      tpu.vector_store %arg6[%swap3A_63], %broadcast_in_dim3A_56 {strides = array<i32>} : memref<80xi32, #tpu.memory_space<vmem>>, vector<16xi32>,
      %get3A_65 = arith.constant 0 : index
      %get3A_66 = tpu.vector_load %arg5[%get3A_65] {strides = array<i32>} : memref<64xi32, #tpu.memory_space<vmem>>, vector<16xi32>,
      %broadcast_in_dim3A_67 = arith.constant true
      %broadcast_in_dim3A_68 = vector.broadcast %broadcast_in_dim3A_67 : i1 to vector<16xi1>
      %masked_cumsum3A = tpu.scan <sum>, %get3A_66 masked %broadcast_in_dim3A_68 : vector<16xi32>, vector<16xi1> -> vector<16xi32>
      %sub3A = arith.subi %masked_cumsum3A, %get3A_66 : vector<16xi32>
      %add3A = arith.constant 0 : i32
      %add3A_69 = vector.broadcast %add3A : i32 to vector<16xi32>
      %add3A_70 = arith.addi %sub3A, %add3A_69 : vector<16xi32>
      %iota3A = tpu.iota {dimensions = array<i32: 0>} : vector<16xi32>
      %add3A_71 = arith.constant 0 : i32
      %add3A_72 = vector.broadcast %add3A_71 : i32 to vector<16xi32>
      %add3A_73 = arith.addi %iota3A, %add3A_72 : vector<16xi32>
      %eq3A_74 = arith.constant 1 : i32
      %eq3A_75 = vector.broadcast %eq3A_74 : i32 to vector<16xi32>
      %eq3A_76 = arith.cmpi eq, %get3A_66, %eq3A_75 : vector<16xi32>
      tpu.vector_store_idx %arg6[%add3A_70], %add3A_73 masked %eq3A_76 : memref<80xi32, #tpu.memory_space<vmem>>[vector<16xi32>], vector<16xi32>, vector<16xi1>
      %reduce_sum3A = arith.constant true
      %reduce_sum3A_77 = vector.broadcast %reduce_sum3A : i1 to vector<16xi1>
      %reduce_sum3A_78 = tpu.scan <sum>, %get3A_66 masked %reduce_sum3A_77 : vector<16xi32>, vector<16xi1> -> vector<16xi32>
      %reduce_sum3A_79 = vector.extract %reduce_sum3A_78[15] : i32 from vector<16xi32>
      %add3A_80 = arith.constant 0 : i32
      %add3A_81 = arith.addi %add3A_80, %reduce_sum3A_79 : i32
      %get3A_82 = arith.constant 16 : index
      %get3A_83 = tpu.vector_load %arg5[%get3A_82] {strides = array<i32>} : memref<64xi32, #tpu.memory_space<vmem>>, vector<16xi32>,
      %broadcast_in_dim3A_84 = arith.constant true
      %broadcast_in_dim3A_85 = vector.broadcast %broadcast_in_dim3A_84 : i1 to vector<16xi1>
      %masked_cumsum3A_86 = tpu.scan <sum>, %get3A_83 masked %broadcast_in_dim3A_85 : vector<16xi32>, vector<16xi1> -> vector<16xi32>
      %sub3A_87 = arith.subi %masked_cumsum3A_86, %get3A_83 : vector<16xi32>
      %add3A_88 = vector.broadcast %add3A_81 : i32 to vector<16xi32>
      %add3A_89 = arith.addi %sub3A_87, %add3A_88 : vector<16xi32>
      %iota3A_90 = tpu.iota {dimensions = array<i32: 0>} : vector<16xi32>
      %add3A_91 = arith.constant 16 : i32
      %add3A_92 = vector.broadcast %add3A_91 : i32 to vector<16xi32>
      %add3A_93 = arith.addi %iota3A_90, %add3A_92 : vector<16xi32>
      %eq3A_94 = arith.constant 1 : i32
      %eq3A_95 = vector.broadcast %eq3A_94 : i32 to vector<16xi32>
      %eq3A_96 = arith.cmpi eq, %get3A_83, %eq3A_95 : vector<16xi32>
      tpu.vector_store_idx %arg6[%add3A_89], %add3A_93 masked %eq3A_96 : memref<80xi32, #tpu.memory_space<vmem>>[vector<16xi32>], vector<16xi32>, vector<16xi1>
      %reduce_sum3A_97 = arith.constant true
      %reduce_sum3A_98 = vector.broadcast %reduce_sum3A_97 : i1 to vector<16xi1>
      %reduce_sum3A_99 = tpu.scan <sum>, %get3A_83 masked %reduce_sum3A_98 : vector<16xi32>, vector<16xi1> -> vector<16xi32>
      %reduce_sum3A_100 = vector.extract %reduce_sum3A_99[15] : i32 from vector<16xi32>
      %add3A_101 = arith.addi %add3A_81, %reduce_sum3A_100 : i32
      %get3A_102 = arith.constant 32 : index
      %get3A_103 = tpu.vector_load %arg5[%get3A_102] {strides = array<i32>} : memref<64xi32, #tpu.memory_space<vmem>>, vector<16xi32>,
      %broadcast_in_dim3A_104 = arith.constant true
      %broadcast_in_dim3A_105 = vector.broadcast %broadcast_in_dim3A_104 : i1 to vector<16xi1>
      %masked_cumsum3A_106 = tpu.scan <sum>, %get3A_103 masked %broadcast_in_dim3A_105 : vector<16xi32>, vector<16xi1> -> vector<16xi32>
      %sub3A_107 = arith.subi %masked_cumsum3A_106, %get3A_103 : vector<16xi32>
      %add3A_108 = vector.broadcast %add3A_101 : i32 to vector<16xi32>
      %add3A_109 = arith.addi %sub3A_107, %add3A_108 : vector<16xi32>
      %iota3A_110 = tpu.iota {dimensions = array<i32: 0>} : vector<16xi32>
      %add3A_111 = arith.constant 32 : i32
      %add3A_112 = vector.broadcast %add3A_111 : i32 to vector<16xi32>
      %add3A_113 = arith.addi %iota3A_110, %add3A_112 : vector<16xi32>
      %eq3A_114 = arith.constant 1 : i32
      %eq3A_115 = vector.broadcast %eq3A_114 : i32 to vector<16xi32>
      %eq3A_116 = arith.cmpi eq, %get3A_103, %eq3A_115 : vector<16xi32>
      tpu.vector_store_idx %arg6[%add3A_109], %add3A_113 masked %eq3A_116 : memref<80xi32, #tpu.memory_space<vmem>>[vector<16xi32>], vector<16xi32>, vector<16xi1>
      %reduce_sum3A_117 = arith.constant true
      %reduce_sum3A_118 = vector.broadcast %reduce_sum3A_117 : i1 to vector<16xi1>
      %reduce_sum3A_119 = tpu.scan <sum>, %get3A_103 masked %reduce_sum3A_118 : vector<16xi32>, vector<16xi1> -> vector<16xi32>
      %reduce_sum3A_120 = vector.extract %reduce_sum3A_119[15] : i32 from vector<16xi32>
      %add3A_121 = arith.addi %add3A_101, %reduce_sum3A_120 : i32
      %get3A_122 = arith.constant 48 : index
      %get3A_123 = tpu.vector_load %arg5[%get3A_122] {strides = array<i32>} : memref<64xi32, #tpu.memory_space<vmem>>, vector<16xi32>,
      %broadcast_in_dim3A_124 = arith.constant true
      %broadcast_in_dim3A_125 = vector.broadcast %broadcast_in_dim3A_124 : i1 to vector<16xi1>
      %masked_cumsum3A_126 = tpu.scan <sum>, %get3A_123 masked %broadcast_in_dim3A_125 : vector<16xi32>, vector<16xi1> -> vector<16xi32>
      %sub3A_127 = arith.subi %masked_cumsum3A_126, %get3A_123 : vector<16xi32>
      %add3A_128 = vector.broadcast %add3A_121 : i32 to vector<16xi32>
      %add3A_129 = arith.addi %sub3A_127, %add3A_128 : vector<16xi32>
      %iota3A_130 = tpu.iota {dimensions = array<i32: 0>} : vector<16xi32>
      %add3A_131 = arith.constant 48 : i32
      %add3A_132 = vector.broadcast %add3A_131 : i32 to vector<16xi32>
      %add3A_133 = arith.addi %iota3A_130, %add3A_132 : vector<16xi32>
      %eq3A_134 = arith.constant 1 : i32
      %eq3A_135 = vector.broadcast %eq3A_134 : i32 to vector<16xi32>
      %eq3A_136 = arith.cmpi eq, %get3A_123, %eq3A_135 : vector<16xi32>
      tpu.vector_store_idx %arg6[%add3A_129], %add3A_133 masked %eq3A_136 : memref<80xi32, #tpu.memory_space<vmem>>[vector<16xi32>], vector<16xi32>, vector<16xi1>
      %reduce_sum3A_137 = arith.constant true
      %reduce_sum3A_138 = vector.broadcast %reduce_sum3A_137 : i1 to vector<16xi1>
      %reduce_sum3A_139 = tpu.scan <sum>, %get3A_123 masked %reduce_sum3A_138 : vector<16xi32>, vector<16xi1> -> vector<16xi32>
      %reduce_sum3A_140 = vector.extract %reduce_sum3A_139[15] : i32 from vector<16xi32>
      %add3A_141 = arith.addi %add3A_121, %reduce_sum3A_140 : i32
      %broadcast_in_dim3A_142 = vector.broadcast %add3A_141 : i32 to vector<16xi32>
      %swap3A_143 = arith.constant 64 : index
      %swap3A_144 = tpu.vector_load %arg6[%swap3A_143] {strides = array<i32>} : memref<80xi32, #tpu.memory_space<vmem>>, vector<16xi32>,
      tpu.vector_store %arg6[%swap3A_143], %broadcast_in_dim3A_142 {strides = array<i32>} : memref<80xi32, #tpu.memory_space<vmem>>, vector<16xi32>,
      "tpu.region"() ({
        %run_scoped3A = tpu.sem_alloc : memref<!tpu.dma_semaphore, #tpu.memory_space<semaphore_mem>>
        tpu.enqueue_dma source(%arg6 : memref<80xi32, #tpu.memory_space<vmem>>) target(%arg3 : memref<80xi32, #tpu.memory_space<hbm>>) target_semaphore(%run_scoped3A : memref<!tpu.dma_semaphore, #tpu.memory_space<semaphore_mem>>)
        tpu.wait_dma2 semaphore(%run_scoped3A : memref<!tpu.dma_semaphore, #tpu.memory_space<semaphore_mem>>) src(%arg6 : memref<80xi32, #tpu.memory_space<vmem>>) dst(%arg3 : memref<80xi32, #tpu.memory_space<hbm>>)
        tpu.yield
      }) : () -> ()
    } else {
    }
    return
  }
}

module attributes {stable_mosaic.version = 14 : i64} {
  func.func @_pool_body(%arg0: i32, %arg1: i32, %arg2: memref<8x512x768xf32, #tpu.memory_space<vmem>>, %arg3: memref<8x768xf32, #tpu.memory_space<vmem>>) attributes {dimension_semantics = [#tpu.dimension_semantics<arbitrary>, #tpu.dimension_semantics<arbitrary>], iteration_bounds = array<i64: 8, 4>, scalar_prefetch = 0 : i64, scratch_operands = 0 : i64, tpu.core_type = #tpu.core_type<tc>, window_params = [{transform_indices = @transform_0, window_bounds = array<i64: 8, 512, 768>}, {transform_indices = @transform_1, window_bounds = array<i64: 8, 768>}]} {
    %get3A = arith.constant 0 : index
    %get3A_0 = arith.constant 0 : index
    %get3A_1 = arith.constant 0 : index
    %get3A_2 = vector.load %arg2[%get3A, %get3A_0, %get3A_1] : memref<8x512x768xf32, #tpu.memory_space<vmem>>, vector<8x512x768xf32>
    %reduce_sum3A = arith.constant dense<0.000000e+00> : vector<8x768xf32>
    %reduce_sum3A_3 = vector.multi_reduction <add>, %get3A_2, %reduce_sum3A [1] : vector<8x512x768xf32> to vector<8x768xf32>
    %eq3A = arith.constant 0 : i32
    %eq3A_4 = arith.cmpi eq, %arg1, %eq3A : i32
    %convert_element_type3A = arith.extui %eq3A_4 : i1 to i32
    %cond3A = arith.constant 0 : i32
    %cond3A_5 = arith.cmpi ne, %convert_element_type3A, %cond3A : i32
    scf.if %cond3A_5 {
      %swap3A = arith.constant 0 : index
      %swap3A_15 = arith.constant 0 : index
      %swap3A_16 = vector.load %arg3[%swap3A, %swap3A_15] : memref<8x768xf32, #tpu.memory_space<vmem>>, vector<8x768xf32>
      tpu.vector_store %arg3[%swap3A, %swap3A_15], %reduce_sum3A_3 {strides = array<i32>} : memref<8x768xf32, #tpu.memory_space<vmem>>, vector<8x768xf32>,
    } else {
    }
    %gt3A = arith.constant 0 : i32
    %gt3A_6 = arith.cmpi sgt, %arg1, %gt3A : i32
    %convert_element_type3A_7 = arith.extui %gt3A_6 : i1 to i32
    %cond3A_8 = arith.constant 0 : i32
    %cond3A_9 = arith.cmpi ne, %convert_element_type3A_7, %cond3A_8 : i32
    scf.if %cond3A_9 {
      %get3A_15 = arith.constant 0 : index
      %get3A_16 = arith.constant 0 : index
      %get3A_17 = vector.load %arg3[%get3A_15, %get3A_16] : memref<8x768xf32, #tpu.memory_space<vmem>>, vector<8x768xf32>
      %add3A = arith.addf %get3A_17, %reduce_sum3A_3 : vector<8x768xf32>
      %swap3A = arith.constant 0 : index
      %swap3A_18 = arith.constant 0 : index
      %swap3A_19 = vector.load %arg3[%swap3A, %swap3A_18] : memref<8x768xf32, #tpu.memory_space<vmem>>, vector<8x768xf32>
      tpu.vector_store %arg3[%swap3A, %swap3A_18], %add3A {strides = array<i32>} : memref<8x768xf32, #tpu.memory_space<vmem>>, vector<8x768xf32>,
    } else {
    }
    %eq3A_10 = arith.constant 3 : i32
    %eq3A_11 = arith.cmpi eq, %arg1, %eq3A_10 : i32
    %convert_element_type3A_12 = arith.extui %eq3A_11 : i1 to i32
    %cond3A_13 = arith.constant 0 : i32
    %cond3A_14 = arith.cmpi ne, %convert_element_type3A_12, %cond3A_13 : i32
    scf.if %cond3A_14 {
      %get3A_15 = arith.constant 0 : index
      %get3A_16 = arith.constant 0 : index
      %get3A_17 = vector.load %arg3[%get3A_15, %get3A_16] : memref<8x768xf32, #tpu.memory_space<vmem>>, vector<8x768xf32>
      %mul3A = arith.constant 4.8828125E-4 : f32
      %mul3A_18 = vector.broadcast %mul3A : f32 to vector<8x768xf32>
      %mul3A_19 = arith.mulf %get3A_17, %mul3A_18 : vector<8x768xf32>
      %reduce_sum3A_20 = arith.constant dense<0.000000e+00> : vector<8xf32>
      %reduce_sum3A_21 = vector.multi_reduction <add>, %mul3A_19, %reduce_sum3A_20 [1] : vector<8x768xf32> to vector<8xf32>
      %broadcast_in_dim3A = vector.shape_cast %reduce_sum3A_21 : vector<8xf32> to vector<8x1xf32>
      %div3A = arith.constant 7.680000e+02 : f32
      %div3A_22 = vector.broadcast %div3A : f32 to vector<8x1xf32>
      %div3A_23 = arith.divf %broadcast_in_dim3A, %div3A_22 : vector<8x1xf32>
      %sub3A = vector.broadcast %div3A_23 : vector<8x1xf32> to vector<8x768xf32>
      %sub3A_24 = arith.subf %mul3A_19, %sub3A : vector<8x768xf32>
      %integer_pow3A = arith.mulf %sub3A_24, %sub3A_24 : vector<8x768xf32>
      %reduce_sum3A_25 = arith.constant dense<0.000000e+00> : vector<8xf32>
      %reduce_sum3A_26 = vector.multi_reduction <add>, %integer_pow3A, %reduce_sum3A_25 [1] : vector<8x768xf32> to vector<8xf32>
      %broadcast_in_dim3A_27 = vector.shape_cast %reduce_sum3A_26 : vector<8xf32> to vector<8x1xf32>
      %div3A_28 = arith.constant 7.680000e+02 : f32
      %div3A_29 = vector.broadcast %div3A_28 : f32 to vector<8x1xf32>
      %div3A_30 = arith.divf %broadcast_in_dim3A_27, %div3A_29 : vector<8x1xf32>
      %sub3A_31 = vector.broadcast %div3A_23 : vector<8x1xf32> to vector<8x768xf32>
      %sub3A_32 = arith.subf %mul3A_19, %sub3A_31 : vector<8x768xf32>
      %add3A = arith.constant 9.99999974E-6 : f32
      %add3A_33 = vector.broadcast %add3A : f32 to vector<8x1xf32>
      %add3A_34 = arith.addf %div3A_30, %add3A_33 : vector<8x1xf32>
      %rsqrt3A = math.rsqrt %add3A_34 : vector<8x1xf32>
      %mul3A_35 = vector.broadcast %rsqrt3A : vector<8x1xf32> to vector<8x768xf32>
      %mul3A_36 = arith.mulf %sub3A_32, %mul3A_35 : vector<8x768xf32>
      %swap3A = arith.constant 0 : index
      %swap3A_37 = arith.constant 0 : index
      %swap3A_38 = vector.load %arg3[%swap3A, %swap3A_37] : memref<8x768xf32, #tpu.memory_space<vmem>>, vector<8x768xf32>
      tpu.vector_store %arg3[%swap3A, %swap3A_37], %mul3A_36 {strides = array<i32>} : memref<8x768xf32, #tpu.memory_space<vmem>>, vector<8x768xf32>,
    } else {
    }
    return
  }
  func.func @transform_0(%arg0: i32, %arg1: i32) -> (i32, i32, i32) {
    %c0_i32 = arith.constant 0 : i32
    %c0_i32_0 = arith.constant 0 : i32
    return %arg0, %arg1, %c0_i32 : i32, i32, i32
  }
  func.func @transform_1(%arg0: i32, %arg1: i32) -> (i32, i32) {
    %c0_i32 = arith.constant 0 : i32
    %c0_i32_0 = arith.constant 0 : i32
    return %arg0, %c0_i32 : i32, i32
  }
}

module attributes {stable_mosaic.version = 14 : i64} {
  func.func @_mlp_body(%arg0: i32, %arg1: memref<80xi32, #tpu.memory_space<smem>>, %arg2: memref<64x4xi32, #tpu.memory_space<vmem>>, %arg3: memref<64x768xf32, #tpu.memory_space<vmem>>, %arg4: memref<64x1x768xf32, #tpu.memory_space<vmem>>, %arg5: memref<64x1x768xf32, #tpu.memory_space<vmem>>, %arg6: memref<1x768x512xf32, #tpu.memory_space<vmem>>, %arg7: memref<1x768x512xf32, #tpu.memory_space<vmem>>, %arg8: memref<1x768x512xf32, #tpu.memory_space<vmem>>, %arg9: memref<1x768x512xf32, #tpu.memory_space<vmem>>, %arg10: memref<64x1x512xf32, #tpu.memory_space<vmem>>, %arg11: memref<64x4x512xf32, #tpu.memory_space<vmem>>, %arg12: memref<64x1x4xf32, #tpu.memory_space<vmem>>, %arg13: memref<64x4xf32, #tpu.memory_space<vmem>>) attributes {dimension_semantics = [#tpu.dimension_semantics<arbitrary>], iteration_bounds = array<i64: 16>, scalar_prefetch = 1 : i64, scratch_operands = 0 : i64, tpu.core_type = #tpu.core_type<tc>, window_params = [{pipeline_mode = #tpu.pipeline_mode<synchronous>, transform_indices = @transform_0, window_bounds = array<i64: 64, 4>}, {pipeline_mode = #tpu.pipeline_mode<synchronous>, transform_indices = @transform_1, window_bounds = array<i64: 64, 768>}, {pipeline_mode = #tpu.pipeline_mode<synchronous>, transform_indices = @transform_2, window_bounds = array<i64: 64, 1, 768>}, {pipeline_mode = #tpu.pipeline_mode<synchronous>, transform_indices = @transform_3, window_bounds = array<i64: 64, 1, 768>}, {transform_indices = @transform_4, window_bounds = array<i64: 1, 768, 512>}, {transform_indices = @transform_5, window_bounds = array<i64: 1, 768, 512>}, {transform_indices = @transform_6, window_bounds = array<i64: 1, 768, 512>}, {transform_indices = @transform_7, window_bounds = array<i64: 1, 768, 512>}, {pipeline_mode = #tpu.pipeline_mode<synchronous>, transform_indices = @transform_8, window_bounds = array<i64: 64, 1, 512>}, {pipeline_mode = #tpu.pipeline_mode<synchronous>, transform_indices = @transform_9, window_bounds = array<i64: 64, 4, 512>}, {pipeline_mode = #tpu.pipeline_mode<synchronous>, transform_indices = @transform_10, window_bounds = array<i64: 64, 1, 4>}, {pipeline_mode = #tpu.pipeline_mode<synchronous>, transform_indices = @transform_11, window_bounds = array<i64: 64, 4>}]} {
    %eq3A = arith.constant 0 : i32
    %eq3A_0 = arith.cmpi eq, %arg0, %eq3A : i32
    %convert_element_type3A = arith.extui %eq3A_0 : i1 to i32
    %cond3A = arith.constant 0 : i32
    %cond3A_1 = arith.cmpi ne, %convert_element_type3A, %cond3A : i32
    scf.if %cond3A_1 {
      %broadcast_in_dim3A = arith.constant 0.000000e+00 : f32
      %broadcast_in_dim3A_41 = vector.broadcast %broadcast_in_dim3A : f32 to vector<64x4xf32>
      %swap3A = arith.constant 0 : index
      %swap3A_42 = arith.constant 0 : index
      %swap3A_43 = vector.load %arg13[%swap3A, %swap3A_42] : memref<64x4xf32, #tpu.memory_space<vmem>>, vector<64x4xf32>
      tpu.vector_store %arg13[%swap3A, %swap3A_42], %broadcast_in_dim3A_41 {strides = array<i32>} : memref<64x4xf32, #tpu.memory_space<vmem>>, vector<64x4xf32>,
    } else {
    }
    %get3A = arith.constant 0 : index
    %get3A_2 = arith.constant 0 : index
    %get3A_3 = vector.load %arg3[%get3A, %get3A_2] : memref<64x768xf32, #tpu.memory_space<vmem>>, vector<64x768xf32>
    %mul3A = arith.constant 4 : i32
    %mul3A_4 = arith.muli %arg0, %mul3A : i32
    %add3A = arith.constant 0 : i32
    %add3A_5 = arith.addi %mul3A_4, %add3A : i32
    %get3A_6 = arith.constant 64 : index
    %get3A_7 = memref.load %arg1[%get3A_6] : memref<80xi32, #tpu.memory_space<smem>>
    %lt3A = arith.cmpi slt, %add3A_5, %get3A_7 : i32
    %convert_element_type3A_8 = arith.extui %lt3A : i1 to i32
    %cond3A_9 = arith.constant 0 : i32
    %cond3A_10 = arith.cmpi ne, %convert_element_type3A_8, %cond3A_9 : i32
    scf.if %cond3A_10 {
      %mul3A_41 = arith.constant 4 : i32
      %mul3A_42 = arith.muli %arg0, %mul3A_41 : i32
      %add3A_43 = arith.constant 0 : i32
      %add3A_44 = arith.addi %mul3A_42, %add3A_43 : i32
      %get3A_45 = arith.index_cast %add3A_44 : i32 to index
      %get3A_46 = memref.load %arg1[%get3A_45] : memref<80xi32, #tpu.memory_space<smem>>
      %get3A_47 = arith.constant 0 : index
      %get3A_48 = arith.constant 0 : index
      %get3A_49 = vector.load %arg2[%get3A_47, %get3A_48] : memref<64x4xi32, #tpu.memory_space<vmem>>, vector<64x4xi32>
      %eq3A_50 = vector.broadcast %get3A_46 : i32 to vector<64x4xi32>
      %eq3A_51 = arith.cmpi eq, %get3A_49, %eq3A_50 : vector<64x4xi32>
      %get3A_52 = arith.index_cast %get3A_46 : i32 to index
      %get3A_53 = arith.constant 0 : index
      %get3A_54 = arith.constant 0 : index
      %get3A_55 = vector.load %arg4[%get3A_52, %get3A_53, %get3A_54] : memref<64x1x768xf32, #tpu.memory_space<vmem>>, vector<1x1x768xf32>
      %get3A_56 = vector.shape_cast %get3A_55 : vector<1x1x768xf32> to vector<1x768xf32>
      %mul3A_57 = vector.broadcast %get3A_56 : vector<1x768xf32> to vector<64x768xf32>
      %mul3A_58 = arith.mulf %get3A_3, %mul3A_57 : vector<64x768xf32>
      %get3A_59 = arith.index_cast %get3A_46 : i32 to index
      %get3A_60 = arith.constant 0 : index
      %get3A_61 = arith.constant 0 : index
      %get3A_62 = vector.load %arg5[%get3A_59, %get3A_60, %get3A_61] : memref<64x1x768xf32, #tpu.memory_space<vmem>>, vector<1x1x768xf32>
      %get3A_63 = vector.shape_cast %get3A_62 : vector<1x1x768xf32> to vector<1x768xf32>
      %add3A_64 = vector.broadcast %get3A_63 : vector<1x768xf32> to vector<64x768xf32>
      %add3A_65 = arith.addf %mul3A_58, %add3A_64 : vector<64x768xf32>
      %get3A_66 = arith.constant 0 : index
      %get3A_67 = arith.constant 0 : index
      %get3A_68 = arith.constant 0 : index
      %get3A_69 = vector.load %arg6[%get3A_66, %get3A_67, %get3A_68] : memref<1x768x512xf32, #tpu.memory_space<vmem>>, vector<1x768x512xf32>
      %get3A_70 = vector.shape_cast %get3A_69 : vector<1x768x512xf32> to vector<768x512xf32>
      %dot_general3A = arith.constant dense<0.000000e+00> : vector<64x512xf32>
      %dot_general3A_71 = tpu.matmul %add3A_65, %get3A_70, %dot_general3A {dimension_numbers = #tpu.dot_dimension_numbers<[1], [0], [0], [1], [0, 0, 1, 1], [], []>, transpose_lhs_hint = false} : vector<64x768xf32>, vector<768x512xf32>, vector<64x512xf32> -> vector<64x512xf32>
      %get3A_72 = arith.index_cast %get3A_46 : i32 to index
      %get3A_73 = arith.constant 0 : index
      %get3A_74 = arith.constant 0 : index
      %get3A_75 = vector.load %arg10[%get3A_72, %get3A_73, %get3A_74] : memref<64x1x512xf32, #tpu.memory_space<vmem>>, vector<1x1x512xf32>
      %get3A_76 = vector.shape_cast %get3A_75 : vector<1x1x512xf32> to vector<1x512xf32>
      %add3A_77 = vector.broadcast %get3A_76 : vector<1x512xf32> to vector<64x512xf32>
      %add3A_78 = arith.addf %dot_general3A_71, %add3A_77 : vector<64x512xf32>
      %mul3A_79 = arith.constant 5.000000e-01 : f32
      %mul3A_80 = vector.broadcast %mul3A_79 : f32 to vector<64x512xf32>
      %mul3A_81 = arith.mulf %mul3A_80, %add3A_78 : vector<64x512xf32>
      %mul3A_82 = arith.constant 0.707106769 : f32
      %mul3A_83 = vector.broadcast %mul3A_82 : f32 to vector<64x512xf32>
      %mul3A_84 = arith.mulf %add3A_78, %mul3A_83 : vector<64x512xf32>
      %erf3A = math.erf %mul3A_84 : vector<64x512xf32>
      %add3A_85 = arith.constant 1.000000e+00 : f32
      %add3A_86 = vector.broadcast %add3A_85 : f32 to vector<64x512xf32>
      %add3A_87 = arith.addf %add3A_86, %erf3A : vector<64x512xf32>
      %mul3A_88 = arith.mulf %mul3A_81, %add3A_87 : vector<64x512xf32>
      %get3A_89 = arith.index_cast %get3A_46 : i32 to index
      %get3A_90 = arith.constant 0 : index
      %get3A_91 = arith.constant 0 : index
      %get3A_92 = vector.load %arg11[%get3A_89, %get3A_90, %get3A_91] : memref<64x4x512xf32, #tpu.memory_space<vmem>>, vector<1x4x512xf32>
      %get3A_93 = vector.shape_cast %get3A_92 : vector<1x4x512xf32> to vector<4x512xf32>
      %dot_general3A_94 = arith.constant dense<0.000000e+00> : vector<64x4xf32>
      %dot_general3A_95 = tpu.matmul %mul3A_88, %get3A_93, %dot_general3A_94 {dimension_numbers = #tpu.dot_dimension_numbers<[1], [1], [0], [0], [0, 0, 1, 0], [], []>, transpose_lhs_hint = false} : vector<64x512xf32>, vector<4x512xf32>, vector<64x4xf32> -> vector<64x4xf32>
      %get3A_96 = arith.index_cast %get3A_46 : i32 to index
      %get3A_97 = arith.constant 0 : index
      %get3A_98 = arith.constant 0 : index
      %get3A_99 = vector.load %arg12[%get3A_96, %get3A_97, %get3A_98] : memref<64x1x4xf32, #tpu.memory_space<vmem>>, vector<1x1x4xf32>
      %get3A_100 = vector.shape_cast %get3A_99 : vector<1x1x4xf32> to vector<1x4xf32>
      %add3A_101 = vector.broadcast %get3A_100 : vector<1x4xf32> to vector<64x4xf32>
      %add3A_102 = arith.addf %dot_general3A_95, %add3A_101 : vector<64x4xf32>
      %get3A_103 = arith.constant 0 : index
      %get3A_104 = arith.constant 0 : index
      %get3A_105 = vector.load %arg13[%get3A_103, %get3A_104] : memref<64x4xf32, #tpu.memory_space<vmem>>, vector<64x4xf32>
      %jit3A = arith.constant 0.000000e+00 : f32
      %broadcast_in_dim3A = vector.broadcast %jit3A : f32 to vector<64x4xf32>
      %select_n3A = arith.select %eq3A_51, %add3A_102, %broadcast_in_dim3A : vector<64x4xi1>, vector<64x4xf32>
      %add3A_106 = arith.addf %get3A_105, %select_n3A : vector<64x4xf32>
      %swap3A = arith.constant 0 : index
      %swap3A_107 = arith.constant 0 : index
      %swap3A_108 = vector.load %arg13[%swap3A, %swap3A_107] : memref<64x4xf32, #tpu.memory_space<vmem>>, vector<64x4xf32>
      tpu.vector_store %arg13[%swap3A, %swap3A_107], %add3A_106 {strides = array<i32>} : memref<64x4xf32, #tpu.memory_space<vmem>>, vector<64x4xf32>,
    } else {
    }
    %mul3A_11 = arith.constant 4 : i32
    %mul3A_12 = arith.muli %arg0, %mul3A_11 : i32
    %add3A_13 = arith.constant 1 : i32
    %add3A_14 = arith.addi %mul3A_12, %add3A_13 : i32
    %get3A_15 = arith.constant 64 : index
    %get3A_16 = memref.load %arg1[%get3A_15] : memref<80xi32, #tpu.memory_space<smem>>
    %lt3A_17 = arith.cmpi slt, %add3A_14, %get3A_16 : i32
    %convert_element_type3A_18 = arith.extui %lt3A_17 : i1 to i32
    %cond3A_19 = arith.constant 0 : i32
    %cond3A_20 = arith.cmpi ne, %convert_element_type3A_18, %cond3A_19 : i32
    scf.if %cond3A_20 {
      %mul3A_41 = arith.constant 4 : i32
      %mul3A_42 = arith.muli %arg0, %mul3A_41 : i32
      %add3A_43 = arith.constant 1 : i32
      %add3A_44 = arith.addi %mul3A_42, %add3A_43 : i32
      %get3A_45 = arith.index_cast %add3A_44 : i32 to index
      %get3A_46 = memref.load %arg1[%get3A_45] : memref<80xi32, #tpu.memory_space<smem>>
      %get3A_47 = arith.constant 0 : index
      %get3A_48 = arith.constant 0 : index
      %get3A_49 = vector.load %arg2[%get3A_47, %get3A_48] : memref<64x4xi32, #tpu.memory_space<vmem>>, vector<64x4xi32>
      %eq3A_50 = vector.broadcast %get3A_46 : i32 to vector<64x4xi32>
      %eq3A_51 = arith.cmpi eq, %get3A_49, %eq3A_50 : vector<64x4xi32>
      %get3A_52 = arith.index_cast %get3A_46 : i32 to index
      %get3A_53 = arith.constant 0 : index
      %get3A_54 = arith.constant 0 : index
      %get3A_55 = vector.load %arg4[%get3A_52, %get3A_53, %get3A_54] : memref<64x1x768xf32, #tpu.memory_space<vmem>>, vector<1x1x768xf32>
      %get3A_56 = vector.shape_cast %get3A_55 : vector<1x1x768xf32> to vector<1x768xf32>
      %mul3A_57 = vector.broadcast %get3A_56 : vector<1x768xf32> to vector<64x768xf32>
      %mul3A_58 = arith.mulf %get3A_3, %mul3A_57 : vector<64x768xf32>
      %get3A_59 = arith.index_cast %get3A_46 : i32 to index
      %get3A_60 = arith.constant 0 : index
      %get3A_61 = arith.constant 0 : index
      %get3A_62 = vector.load %arg5[%get3A_59, %get3A_60, %get3A_61] : memref<64x1x768xf32, #tpu.memory_space<vmem>>, vector<1x1x768xf32>
      %get3A_63 = vector.shape_cast %get3A_62 : vector<1x1x768xf32> to vector<1x768xf32>
      %add3A_64 = vector.broadcast %get3A_63 : vector<1x768xf32> to vector<64x768xf32>
      %add3A_65 = arith.addf %mul3A_58, %add3A_64 : vector<64x768xf32>
      %get3A_66 = arith.constant 0 : index
      %get3A_67 = arith.constant 0 : index
      %get3A_68 = arith.constant 0 : index
      %get3A_69 = vector.load %arg7[%get3A_66, %get3A_67, %get3A_68] : memref<1x768x512xf32, #tpu.memory_space<vmem>>, vector<1x768x512xf32>
      %get3A_70 = vector.shape_cast %get3A_69 : vector<1x768x512xf32> to vector<768x512xf32>
      %dot_general3A = arith.constant dense<0.000000e+00> : vector<64x512xf32>
      %dot_general3A_71 = tpu.matmul %add3A_65, %get3A_70, %dot_general3A {dimension_numbers = #tpu.dot_dimension_numbers<[1], [0], [0], [1], [0, 0, 1, 1], [], []>, transpose_lhs_hint = false} : vector<64x768xf32>, vector<768x512xf32>, vector<64x512xf32> -> vector<64x512xf32>
      %get3A_72 = arith.index_cast %get3A_46 : i32 to index
      %get3A_73 = arith.constant 0 : index
      %get3A_74 = arith.constant 0 : index
      %get3A_75 = vector.load %arg10[%get3A_72, %get3A_73, %get3A_74] : memref<64x1x512xf32, #tpu.memory_space<vmem>>, vector<1x1x512xf32>
      %get3A_76 = vector.shape_cast %get3A_75 : vector<1x1x512xf32> to vector<1x512xf32>
      %add3A_77 = vector.broadcast %get3A_76 : vector<1x512xf32> to vector<64x512xf32>
      %add3A_78 = arith.addf %dot_general3A_71, %add3A_77 : vector<64x512xf32>
      %mul3A_79 = arith.constant 5.000000e-01 : f32
      %mul3A_80 = vector.broadcast %mul3A_79 : f32 to vector<64x512xf32>
      %mul3A_81 = arith.mulf %mul3A_80, %add3A_78 : vector<64x512xf32>
      %mul3A_82 = arith.constant 0.707106769 : f32
      %mul3A_83 = vector.broadcast %mul3A_82 : f32 to vector<64x512xf32>
      %mul3A_84 = arith.mulf %add3A_78, %mul3A_83 : vector<64x512xf32>
      %erf3A = math.erf %mul3A_84 : vector<64x512xf32>
      %add3A_85 = arith.constant 1.000000e+00 : f32
      %add3A_86 = vector.broadcast %add3A_85 : f32 to vector<64x512xf32>
      %add3A_87 = arith.addf %add3A_86, %erf3A : vector<64x512xf32>
      %mul3A_88 = arith.mulf %mul3A_81, %add3A_87 : vector<64x512xf32>
      %get3A_89 = arith.index_cast %get3A_46 : i32 to index
      %get3A_90 = arith.constant 0 : index
      %get3A_91 = arith.constant 0 : index
      %get3A_92 = vector.load %arg11[%get3A_89, %get3A_90, %get3A_91] : memref<64x4x512xf32, #tpu.memory_space<vmem>>, vector<1x4x512xf32>
      %get3A_93 = vector.shape_cast %get3A_92 : vector<1x4x512xf32> to vector<4x512xf32>
      %dot_general3A_94 = arith.constant dense<0.000000e+00> : vector<64x4xf32>
      %dot_general3A_95 = tpu.matmul %mul3A_88, %get3A_93, %dot_general3A_94 {dimension_numbers = #tpu.dot_dimension_numbers<[1], [1], [0], [0], [0, 0, 1, 0], [], []>, transpose_lhs_hint = false} : vector<64x512xf32>, vector<4x512xf32>, vector<64x4xf32> -> vector<64x4xf32>
      %get3A_96 = arith.index_cast %get3A_46 : i32 to index
      %get3A_97 = arith.constant 0 : index
      %get3A_98 = arith.constant 0 : index
      %get3A_99 = vector.load %arg12[%get3A_96, %get3A_97, %get3A_98] : memref<64x1x4xf32, #tpu.memory_space<vmem>>, vector<1x1x4xf32>
      %get3A_100 = vector.shape_cast %get3A_99 : vector<1x1x4xf32> to vector<1x4xf32>
      %add3A_101 = vector.broadcast %get3A_100 : vector<1x4xf32> to vector<64x4xf32>
      %add3A_102 = arith.addf %dot_general3A_95, %add3A_101 : vector<64x4xf32>
      %get3A_103 = arith.constant 0 : index
      %get3A_104 = arith.constant 0 : index
      %get3A_105 = vector.load %arg13[%get3A_103, %get3A_104] : memref<64x4xf32, #tpu.memory_space<vmem>>, vector<64x4xf32>
      %jit3A = arith.constant 0.000000e+00 : f32
      %broadcast_in_dim3A = vector.broadcast %jit3A : f32 to vector<64x4xf32>
      %select_n3A = arith.select %eq3A_51, %add3A_102, %broadcast_in_dim3A : vector<64x4xi1>, vector<64x4xf32>
      %add3A_106 = arith.addf %get3A_105, %select_n3A : vector<64x4xf32>
      %swap3A = arith.constant 0 : index
      %swap3A_107 = arith.constant 0 : index
      %swap3A_108 = vector.load %arg13[%swap3A, %swap3A_107] : memref<64x4xf32, #tpu.memory_space<vmem>>, vector<64x4xf32>
      tpu.vector_store %arg13[%swap3A, %swap3A_107], %add3A_106 {strides = array<i32>} : memref<64x4xf32, #tpu.memory_space<vmem>>, vector<64x4xf32>,
    } else {
    }
    %mul3A_21 = arith.constant 4 : i32
    %mul3A_22 = arith.muli %arg0, %mul3A_21 : i32
    %add3A_23 = arith.constant 2 : i32
    %add3A_24 = arith.addi %mul3A_22, %add3A_23 : i32
    %get3A_25 = arith.constant 64 : index
    %get3A_26 = memref.load %arg1[%get3A_25] : memref<80xi32, #tpu.memory_space<smem>>
    %lt3A_27 = arith.cmpi slt, %add3A_24, %get3A_26 : i32
    %convert_element_type3A_28 = arith.extui %lt3A_27 : i1 to i32
    %cond3A_29 = arith.constant 0 : i32
    %cond3A_30 = arith.cmpi ne, %convert_element_type3A_28, %cond3A_29 : i32
    scf.if %cond3A_30 {
      %mul3A_41 = arith.constant 4 : i32
      %mul3A_42 = arith.muli %arg0, %mul3A_41 : i32
      %add3A_43 = arith.constant 2 : i32
      %add3A_44 = arith.addi %mul3A_42, %add3A_43 : i32
      %get3A_45 = arith.index_cast %add3A_44 : i32 to index
      %get3A_46 = memref.load %arg1[%get3A_45] : memref<80xi32, #tpu.memory_space<smem>>
      %get3A_47 = arith.constant 0 : index
      %get3A_48 = arith.constant 0 : index
      %get3A_49 = vector.load %arg2[%get3A_47, %get3A_48] : memref<64x4xi32, #tpu.memory_space<vmem>>, vector<64x4xi32>
      %eq3A_50 = vector.broadcast %get3A_46 : i32 to vector<64x4xi32>
      %eq3A_51 = arith.cmpi eq, %get3A_49, %eq3A_50 : vector<64x4xi32>
      %get3A_52 = arith.index_cast %get3A_46 : i32 to index
      %get3A_53 = arith.constant 0 : index
      %get3A_54 = arith.constant 0 : index
      %get3A_55 = vector.load %arg4[%get3A_52, %get3A_53, %get3A_54] : memref<64x1x768xf32, #tpu.memory_space<vmem>>, vector<1x1x768xf32>
      %get3A_56 = vector.shape_cast %get3A_55 : vector<1x1x768xf32> to vector<1x768xf32>
      %mul3A_57 = vector.broadcast %get3A_56 : vector<1x768xf32> to vector<64x768xf32>
      %mul3A_58 = arith.mulf %get3A_3, %mul3A_57 : vector<64x768xf32>
      %get3A_59 = arith.index_cast %get3A_46 : i32 to index
      %get3A_60 = arith.constant 0 : index
      %get3A_61 = arith.constant 0 : index
      %get3A_62 = vector.load %arg5[%get3A_59, %get3A_60, %get3A_61] : memref<64x1x768xf32, #tpu.memory_space<vmem>>, vector<1x1x768xf32>
      %get3A_63 = vector.shape_cast %get3A_62 : vector<1x1x768xf32> to vector<1x768xf32>
      %add3A_64 = vector.broadcast %get3A_63 : vector<1x768xf32> to vector<64x768xf32>
      %add3A_65 = arith.addf %mul3A_58, %add3A_64 : vector<64x768xf32>
      %get3A_66 = arith.constant 0 : index
      %get3A_67 = arith.constant 0 : index
      %get3A_68 = arith.constant 0 : index
      %get3A_69 = vector.load %arg8[%get3A_66, %get3A_67, %get3A_68] : memref<1x768x512xf32, #tpu.memory_space<vmem>>, vector<1x768x512xf32>
      %get3A_70 = vector.shape_cast %get3A_69 : vector<1x768x512xf32> to vector<768x512xf32>
      %dot_general3A = arith.constant dense<0.000000e+00> : vector<64x512xf32>
      %dot_general3A_71 = tpu.matmul %add3A_65, %get3A_70, %dot_general3A {dimension_numbers = #tpu.dot_dimension_numbers<[1], [0], [0], [1], [0, 0, 1, 1], [], []>, transpose_lhs_hint = false} : vector<64x768xf32>, vector<768x512xf32>, vector<64x512xf32> -> vector<64x512xf32>
      %get3A_72 = arith.index_cast %get3A_46 : i32 to index
      %get3A_73 = arith.constant 0 : index
      %get3A_74 = arith.constant 0 : index
      %get3A_75 = vector.load %arg10[%get3A_72, %get3A_73, %get3A_74] : memref<64x1x512xf32, #tpu.memory_space<vmem>>, vector<1x1x512xf32>
      %get3A_76 = vector.shape_cast %get3A_75 : vector<1x1x512xf32> to vector<1x512xf32>
      %add3A_77 = vector.broadcast %get3A_76 : vector<1x512xf32> to vector<64x512xf32>
      %add3A_78 = arith.addf %dot_general3A_71, %add3A_77 : vector<64x512xf32>
      %mul3A_79 = arith.constant 5.000000e-01 : f32
      %mul3A_80 = vector.broadcast %mul3A_79 : f32 to vector<64x512xf32>
      %mul3A_81 = arith.mulf %mul3A_80, %add3A_78 : vector<64x512xf32>
      %mul3A_82 = arith.constant 0.707106769 : f32
      %mul3A_83 = vector.broadcast %mul3A_82 : f32 to vector<64x512xf32>
      %mul3A_84 = arith.mulf %add3A_78, %mul3A_83 : vector<64x512xf32>
      %erf3A = math.erf %mul3A_84 : vector<64x512xf32>
      %add3A_85 = arith.constant 1.000000e+00 : f32
      %add3A_86 = vector.broadcast %add3A_85 : f32 to vector<64x512xf32>
      %add3A_87 = arith.addf %add3A_86, %erf3A : vector<64x512xf32>
      %mul3A_88 = arith.mulf %mul3A_81, %add3A_87 : vector<64x512xf32>
      %get3A_89 = arith.index_cast %get3A_46 : i32 to index
      %get3A_90 = arith.constant 0 : index
      %get3A_91 = arith.constant 0 : index
      %get3A_92 = vector.load %arg11[%get3A_89, %get3A_90, %get3A_91] : memref<64x4x512xf32, #tpu.memory_space<vmem>>, vector<1x4x512xf32>
      %get3A_93 = vector.shape_cast %get3A_92 : vector<1x4x512xf32> to vector<4x512xf32>
      %dot_general3A_94 = arith.constant dense<0.000000e+00> : vector<64x4xf32>
      %dot_general3A_95 = tpu.matmul %mul3A_88, %get3A_93, %dot_general3A_94 {dimension_numbers = #tpu.dot_dimension_numbers<[1], [1], [0], [0], [0, 0, 1, 0], [], []>, transpose_lhs_hint = false} : vector<64x512xf32>, vector<4x512xf32>, vector<64x4xf32> -> vector<64x4xf32>
      %get3A_96 = arith.index_cast %get3A_46 : i32 to index
      %get3A_97 = arith.constant 0 : index
      %get3A_98 = arith.constant 0 : index
      %get3A_99 = vector.load %arg12[%get3A_96, %get3A_97, %get3A_98] : memref<64x1x4xf32, #tpu.memory_space<vmem>>, vector<1x1x4xf32>
      %get3A_100 = vector.shape_cast %get3A_99 : vector<1x1x4xf32> to vector<1x4xf32>
      %add3A_101 = vector.broadcast %get3A_100 : vector<1x4xf32> to vector<64x4xf32>
      %add3A_102 = arith.addf %dot_general3A_95, %add3A_101 : vector<64x4xf32>
      %get3A_103 = arith.constant 0 : index
      %get3A_104 = arith.constant 0 : index
      %get3A_105 = vector.load %arg13[%get3A_103, %get3A_104] : memref<64x4xf32, #tpu.memory_space<vmem>>, vector<64x4xf32>
      %jit3A = arith.constant 0.000000e+00 : f32
      %broadcast_in_dim3A = vector.broadcast %jit3A : f32 to vector<64x4xf32>
      %select_n3A = arith.select %eq3A_51, %add3A_102, %broadcast_in_dim3A : vector<64x4xi1>, vector<64x4xf32>
      %add3A_106 = arith.addf %get3A_105, %select_n3A : vector<64x4xf32>
      %swap3A = arith.constant 0 : index
      %swap3A_107 = arith.constant 0 : index
      %swap3A_108 = vector.load %arg13[%swap3A, %swap3A_107] : memref<64x4xf32, #tpu.memory_space<vmem>>, vector<64x4xf32>
      tpu.vector_store %arg13[%swap3A, %swap3A_107], %add3A_106 {strides = array<i32>} : memref<64x4xf32, #tpu.memory_space<vmem>>, vector<64x4xf32>,
    } else {
    }
    %mul3A_31 = arith.constant 4 : i32
    %mul3A_32 = arith.muli %arg0, %mul3A_31 : i32
    %add3A_33 = arith.constant 3 : i32
    %add3A_34 = arith.addi %mul3A_32, %add3A_33 : i32
    %get3A_35 = arith.constant 64 : index
    %get3A_36 = memref.load %arg1[%get3A_35] : memref<80xi32, #tpu.memory_space<smem>>
    %lt3A_37 = arith.cmpi slt, %add3A_34, %get3A_36 : i32
    %convert_element_type3A_38 = arith.extui %lt3A_37 : i1 to i32
    %cond3A_39 = arith.constant 0 : i32
    %cond3A_40 = arith.cmpi ne, %convert_element_type3A_38, %cond3A_39 : i32
    scf.if %cond3A_40 {
      %mul3A_41 = arith.constant 4 : i32
      %mul3A_42 = arith.muli %arg0, %mul3A_41 : i32
      %add3A_43 = arith.constant 3 : i32
      %add3A_44 = arith.addi %mul3A_42, %add3A_43 : i32
      %get3A_45 = arith.index_cast %add3A_44 : i32 to index
      %get3A_46 = memref.load %arg1[%get3A_45] : memref<80xi32, #tpu.memory_space<smem>>
      %get3A_47 = arith.constant 0 : index
      %get3A_48 = arith.constant 0 : index
      %get3A_49 = vector.load %arg2[%get3A_47, %get3A_48] : memref<64x4xi32, #tpu.memory_space<vmem>>, vector<64x4xi32>
      %eq3A_50 = vector.broadcast %get3A_46 : i32 to vector<64x4xi32>
      %eq3A_51 = arith.cmpi eq, %get3A_49, %eq3A_50 : vector<64x4xi32>
      %get3A_52 = arith.index_cast %get3A_46 : i32 to index
      %get3A_53 = arith.constant 0 : index
      %get3A_54 = arith.constant 0 : index
      %get3A_55 = vector.load %arg4[%get3A_52, %get3A_53, %get3A_54] : memref<64x1x768xf32, #tpu.memory_space<vmem>>, vector<1x1x768xf32>
      %get3A_56 = vector.shape_cast %get3A_55 : vector<1x1x768xf32> to vector<1x768xf32>
      %mul3A_57 = vector.broadcast %get3A_56 : vector<1x768xf32> to vector<64x768xf32>
      %mul3A_58 = arith.mulf %get3A_3, %mul3A_57 : vector<64x768xf32>
      %get3A_59 = arith.index_cast %get3A_46 : i32 to index
      %get3A_60 = arith.constant 0 : index
      %get3A_61 = arith.constant 0 : index
      %get3A_62 = vector.load %arg5[%get3A_59, %get3A_60, %get3A_61] : memref<64x1x768xf32, #tpu.memory_space<vmem>>, vector<1x1x768xf32>
      %get3A_63 = vector.shape_cast %get3A_62 : vector<1x1x768xf32> to vector<1x768xf32>
      %add3A_64 = vector.broadcast %get3A_63 : vector<1x768xf32> to vector<64x768xf32>
      %add3A_65 = arith.addf %mul3A_58, %add3A_64 : vector<64x768xf32>
      %get3A_66 = arith.constant 0 : index
      %get3A_67 = arith.constant 0 : index
      %get3A_68 = arith.constant 0 : index
      %get3A_69 = vector.load %arg9[%get3A_66, %get3A_67, %get3A_68] : memref<1x768x512xf32, #tpu.memory_space<vmem>>, vector<1x768x512xf32>
      %get3A_70 = vector.shape_cast %get3A_69 : vector<1x768x512xf32> to vector<768x512xf32>
      %dot_general3A = arith.constant dense<0.000000e+00> : vector<64x512xf32>
      %dot_general3A_71 = tpu.matmul %add3A_65, %get3A_70, %dot_general3A {dimension_numbers = #tpu.dot_dimension_numbers<[1], [0], [0], [1], [0, 0, 1, 1], [], []>, transpose_lhs_hint = false} : vector<64x768xf32>, vector<768x512xf32>, vector<64x512xf32> -> vector<64x512xf32>
      %get3A_72 = arith.index_cast %get3A_46 : i32 to index
      %get3A_73 = arith.constant 0 : index
      %get3A_74 = arith.constant 0 : index
      %get3A_75 = vector.load %arg10[%get3A_72, %get3A_73, %get3A_74] : memref<64x1x512xf32, #tpu.memory_space<vmem>>, vector<1x1x512xf32>
      %get3A_76 = vector.shape_cast %get3A_75 : vector<1x1x512xf32> to vector<1x512xf32>
      %add3A_77 = vector.broadcast %get3A_76 : vector<1x512xf32> to vector<64x512xf32>
      %add3A_78 = arith.addf %dot_general3A_71, %add3A_77 : vector<64x512xf32>
      %mul3A_79 = arith.constant 5.000000e-01 : f32
      %mul3A_80 = vector.broadcast %mul3A_79 : f32 to vector<64x512xf32>
      %mul3A_81 = arith.mulf %mul3A_80, %add3A_78 : vector<64x512xf32>
      %mul3A_82 = arith.constant 0.707106769 : f32
      %mul3A_83 = vector.broadcast %mul3A_82 : f32 to vector<64x512xf32>
      %mul3A_84 = arith.mulf %add3A_78, %mul3A_83 : vector<64x512xf32>
      %erf3A = math.erf %mul3A_84 : vector<64x512xf32>
      %add3A_85 = arith.constant 1.000000e+00 : f32
      %add3A_86 = vector.broadcast %add3A_85 : f32 to vector<64x512xf32>
      %add3A_87 = arith.addf %add3A_86, %erf3A : vector<64x512xf32>
      %mul3A_88 = arith.mulf %mul3A_81, %add3A_87 : vector<64x512xf32>
      %get3A_89 = arith.index_cast %get3A_46 : i32 to index
      %get3A_90 = arith.constant 0 : index
      %get3A_91 = arith.constant 0 : index
      %get3A_92 = vector.load %arg11[%get3A_89, %get3A_90, %get3A_91] : memref<64x4x512xf32, #tpu.memory_space<vmem>>, vector<1x4x512xf32>
      %get3A_93 = vector.shape_cast %get3A_92 : vector<1x4x512xf32> to vector<4x512xf32>
      %dot_general3A_94 = arith.constant dense<0.000000e+00> : vector<64x4xf32>
      %dot_general3A_95 = tpu.matmul %mul3A_88, %get3A_93, %dot_general3A_94 {dimension_numbers = #tpu.dot_dimension_numbers<[1], [1], [0], [0], [0, 0, 1, 0], [], []>, transpose_lhs_hint = false} : vector<64x512xf32>, vector<4x512xf32>, vector<64x4xf32> -> vector<64x4xf32>
      %get3A_96 = arith.index_cast %get3A_46 : i32 to index
      %get3A_97 = arith.constant 0 : index
      %get3A_98 = arith.constant 0 : index
      %get3A_99 = vector.load %arg12[%get3A_96, %get3A_97, %get3A_98] : memref<64x1x4xf32, #tpu.memory_space<vmem>>, vector<1x1x4xf32>
      %get3A_100 = vector.shape_cast %get3A_99 : vector<1x1x4xf32> to vector<1x4xf32>
      %add3A_101 = vector.broadcast %get3A_100 : vector<1x4xf32> to vector<64x4xf32>
      %add3A_102 = arith.addf %dot_general3A_95, %add3A_101 : vector<64x4xf32>
      %get3A_103 = arith.constant 0 : index
      %get3A_104 = arith.constant 0 : index
      %get3A_105 = vector.load %arg13[%get3A_103, %get3A_104] : memref<64x4xf32, #tpu.memory_space<vmem>>, vector<64x4xf32>
      %jit3A = arith.constant 0.000000e+00 : f32
      %broadcast_in_dim3A = vector.broadcast %jit3A : f32 to vector<64x4xf32>
      %select_n3A = arith.select %eq3A_51, %add3A_102, %broadcast_in_dim3A : vector<64x4xi1>, vector<64x4xf32>
      %add3A_106 = arith.addf %get3A_105, %select_n3A : vector<64x4xf32>
      %swap3A = arith.constant 0 : index
      %swap3A_107 = arith.constant 0 : index
      %swap3A_108 = vector.load %arg13[%swap3A, %swap3A_107] : memref<64x4xf32, #tpu.memory_space<vmem>>, vector<64x4xf32>
      tpu.vector_store %arg13[%swap3A, %swap3A_107], %add3A_106 {strides = array<i32>} : memref<64x4xf32, #tpu.memory_space<vmem>>, vector<64x4xf32>,
    } else {
    }
    return
  }
  func.func @transform_0(%arg0: i32, %arg1: memref<80xi32, #tpu.memory_space<smem>>) -> (i32, i32) {
    %c0_i32 = arith.constant 0 : i32
    %c0_i32_0 = arith.constant 0 : i32
    %c0_i32_1 = arith.constant 0 : i32
    return %c0_i32, %c0_i32_0 : i32, i32
  }
  func.func @transform_1(%arg0: i32, %arg1: memref<80xi32, #tpu.memory_space<smem>>) -> (i32, i32) {
    %c0_i32 = arith.constant 0 : i32
    %c0_i32_0 = arith.constant 0 : i32
    %c0_i32_1 = arith.constant 0 : i32
    return %c0_i32, %c0_i32_0 : i32, i32
  }
  func.func @transform_2(%arg0: i32, %arg1: memref<80xi32, #tpu.memory_space<smem>>) -> (i32, i32, i32) {
    %c0_i32 = arith.constant 0 : i32
    %c0_i32_0 = arith.constant 0 : i32
    %c0_i32_1 = arith.constant 0 : i32
    %c0_i32_2 = arith.constant 0 : i32
    return %c0_i32, %c0_i32_0, %c0_i32_1 : i32, i32, i32
  }
  func.func @transform_3(%arg0: i32, %arg1: memref<80xi32, #tpu.memory_space<smem>>) -> (i32, i32, i32) {
    %c0_i32 = arith.constant 0 : i32
    %c0_i32_0 = arith.constant 0 : i32
    %c0_i32_1 = arith.constant 0 : i32
    %c0_i32_2 = arith.constant 0 : i32
    return %c0_i32, %c0_i32_0, %c0_i32_1 : i32, i32, i32
  }
  func.func @transform_4(%arg0: i32, %arg1: memref<80xi32, #tpu.memory_space<smem>>) -> (i32, i32, i32) {
    %mul3A = arith.constant 4 : i32
    %mul3A_0 = arith.muli %arg0, %mul3A : i32
    %add3A = arith.constant 0 : i32
    %add3A_1 = arith.addi %mul3A_0, %add3A : i32
    %get3A = arith.index_cast %add3A_1 : i32 to index
    %get3A_2 = memref.load %arg1[%get3A] : memref<80xi32, #tpu.memory_space<smem>>
    %c0_i32 = arith.constant 0 : i32
    %c0_i32_3 = arith.constant 0 : i32
    %c0_i32_4 = arith.constant 0 : i32
    return %get3A_2, %c0_i32, %c0_i32_3 : i32, i32, i32
  }
  func.func @transform_5(%arg0: i32, %arg1: memref<80xi32, #tpu.memory_space<smem>>) -> (i32, i32, i32) {
    %mul3A = arith.constant 4 : i32
    %mul3A_0 = arith.muli %arg0, %mul3A : i32
    %add3A = arith.constant 1 : i32
    %add3A_1 = arith.addi %mul3A_0, %add3A : i32
    %get3A = arith.index_cast %add3A_1 : i32 to index
    %get3A_2 = memref.load %arg1[%get3A] : memref<80xi32, #tpu.memory_space<smem>>
    %c0_i32 = arith.constant 0 : i32
    %c0_i32_3 = arith.constant 0 : i32
    %c0_i32_4 = arith.constant 0 : i32
    return %get3A_2, %c0_i32, %c0_i32_3 : i32, i32, i32
  }
  func.func @transform_6(%arg0: i32, %arg1: memref<80xi32, #tpu.memory_space<smem>>) -> (i32, i32, i32) {
    %mul3A = arith.constant 4 : i32
    %mul3A_0 = arith.muli %arg0, %mul3A : i32
    %add3A = arith.constant 2 : i32
    %add3A_1 = arith.addi %mul3A_0, %add3A : i32
    %get3A = arith.index_cast %add3A_1 : i32 to index
    %get3A_2 = memref.load %arg1[%get3A] : memref<80xi32, #tpu.memory_space<smem>>
    %c0_i32 = arith.constant 0 : i32
    %c0_i32_3 = arith.constant 0 : i32
    %c0_i32_4 = arith.constant 0 : i32
    return %get3A_2, %c0_i32, %c0_i32_3 : i32, i32, i32
  }
  func.func @transform_7(%arg0: i32, %arg1: memref<80xi32, #tpu.memory_space<smem>>) -> (i32, i32, i32) {
    %mul3A = arith.constant 4 : i32
    %mul3A_0 = arith.muli %arg0, %mul3A : i32
    %add3A = arith.constant 3 : i32
    %add3A_1 = arith.addi %mul3A_0, %add3A : i32
    %get3A = arith.index_cast %add3A_1 : i32 to index
    %get3A_2 = memref.load %arg1[%get3A] : memref<80xi32, #tpu.memory_space<smem>>
    %c0_i32 = arith.constant 0 : i32
    %c0_i32_3 = arith.constant 0 : i32
    %c0_i32_4 = arith.constant 0 : i32
    return %get3A_2, %c0_i32, %c0_i32_3 : i32, i32, i32
  }
  func.func @transform_8(%arg0: i32, %arg1: memref<80xi32, #tpu.memory_space<smem>>) -> (i32, i32, i32) {
    %c0_i32 = arith.constant 0 : i32
    %c0_i32_0 = arith.constant 0 : i32
    %c0_i32_1 = arith.constant 0 : i32
    %c0_i32_2 = arith.constant 0 : i32
    return %c0_i32, %c0_i32_0, %c0_i32_1 : i32, i32, i32
  }
  func.func @transform_9(%arg0: i32, %arg1: memref<80xi32, #tpu.memory_space<smem>>) -> (i32, i32, i32) {
    %c0_i32 = arith.constant 0 : i32
    %c0_i32_0 = arith.constant 0 : i32
    %c0_i32_1 = arith.constant 0 : i32
    %c0_i32_2 = arith.constant 0 : i32
    return %c0_i32, %c0_i32_0, %c0_i32_1 : i32, i32, i32
  }
  func.func @transform_10(%arg0: i32, %arg1: memref<80xi32, #tpu.memory_space<smem>>) -> (i32, i32, i32) {
    %c0_i32 = arith.constant 0 : i32
    %c0_i32_0 = arith.constant 0 : i32
    %c0_i32_1 = arith.constant 0 : i32
    %c0_i32_2 = arith.constant 0 : i32
    return %c0_i32, %c0_i32_0, %c0_i32_1 : i32, i32, i32
  }
  func.func @transform_11(%arg0: i32, %arg1: memref<80xi32, #tpu.memory_space<smem>>) -> (i32, i32) {
    %c0_i32 = arith.constant 0 : i32
    %c0_i32_0 = arith.constant 0 : i32
    %c0_i32_1 = arith.constant 0 : i32
    return %c0_i32, %c0_i32_0 : i32, i32
  }
}

</mosaic_0001>

<sc_bundles>
// kernel: kernel.5.cloned.1.call-start
scs
__scs_entry_jumppad:
0x0: {  	(pc) =	sbr.rel $0x88, $3  }
0x1: {  	(tag) =	ssettag $0x0;
	lr =	simm.s32 $0x1  }
0x2: {  	[smem:$0x3F99] =	sst lr;
	_ =	strace $0xD0000000  }
0x3: {  	_ = 	snop  }
0x4: {  	_ = 	snop  }
0x5: {  	_ = 	snop  }
0x6: {  	_ = 	snop  }
0x7: {  	_ = 	snop  }
__scs_overlays_trampoline_lowered:
0x8: {  	[smem:$0x3FA8] =	sst s0  }
0x9: {  	[smem:$0x3FA9] =	sst s1  }
0xa: {  	[smem:$0x3FAA] =	sst s2  }
0xb: {  	[smem:$0x3FAB] =	sst s3  }
0xc: {  	[smem:$0x3FAC] =	sst s4  }
0xd: {  	[smem:$0x3FAD] =	sst s5  }
0xe: {  	[smem:$0x3FAE] =	sst s6  }
0xf: {  	[smem:$0x3FAF] =	sst s7  }
0x10: {  	[smem:$0x3FB0] =	sst s8  }
0x11: {  	[smem:$0x3FB1] =	sst s9;
	s0 =	simm.s32 @!p0 $0x0  }
0x12: {  	s1 =	sld [smem:$0x3F97];
	s0 =	simm.s32 @p0 $0x1  }
0x13: {  	[smem:$0x3FB2] =	sst s0;
	s0 =	simm.s32 @!p1 $0x0  }
0x14: {  	s2 =	sld [smem:$0x3F96];
	s0 =	simm.s32 @p1 $0x1  }
0x15: {  	[smem:$0x3FB3] =	sst s0;
	s0 =	simm.s32 @!p2 $0x0  }
0x16: {  	s3 =	sld [smem:$0x3FDB];
	s0 =	simm.s32 @p2 $0x1  }
0x17: {  	s4 =	simm.s32 $0x1BF5;
	[smem:$0x3FB5] =	sst s0  }
0x18: {  	s0 =	sld [smem:$0x3F98];
	_ =	swait.ge [sflag:s4], $0x0  }
0x19: {  	s7 =	sld [smem:$0x3F99]  }
0x1a: {  	s8 =	sadd.s32 $0xFFFFE003, lr  }
0x1b: {  	s9 =	sadd.s32 $0xFFFFFEF7, lr;
	s5 =	simm.s32 $0xFFFFFFFF;
	p2 =	slt.u32 s8, $0xFFFFF086  }
0x1c: {  	p1 =	slt.u32 s9, $0xF7A;
	s5 =	simm.s32 @!p2 $0x0  }
0x1d: {  	s5 =	simm.s32 @p1 $0x1;
	p0 =	seq.s32 s7, s2  }
0x1e: {  	s7 =	smul.u32 @!p0 $0xF7A, s2;
	p2 =	seq.s32 @!p0 s5, $0x0  }
0x1f: {  	s9 =	smul.u32 $0xF7A, s1;
	s8 =	simm.s32 @!p0 $0x1BF5;
	p2 =	por !p2, p0  }
0x20: {  	[sflag:s8] =	ssyncset.s32 @!p0 $0xFFFFF086;
	s6 =	sadd.s32 @!p0 s3, s7;
	s7 =	simm.s32 @!p0 $0x108  }
0x21: {  	s3 =	sadd.s32 s3, s9;
	s6 =	sadd.s32 @!p0 $0x88, s6;
	s7 =	simm.s32 @p2 $0x1082  }
0x22: {  	[simem:s7], [sflag:s8] =	dma.local @!p0 [hbm:s6], $0xF7A  }
0x23: {  	s9 =	sor.u32 $0xD0000000, s2;
	s6 =	simm.s32 $0x108;
	_ =	swait.ge @!p0 [sflag:s8], $0x0  }
0x24: {  	s3 =	sadd.s32 $0x88, s3;
	s6 =	simm.s32 @!p1 $0x1082;
	[sflag:s4] =	ssyncset.s32 $0xFFFFF086  }
0x25: {  	[simem:s6], [sflag:s4] =	dma.local [hbm:s3], $0xF7A  }
0x26: {  	[smem:$0x3F99] =	sst s1;
	(tag) =	ssettag s2;
	_ =	strace s9  }
0x27: {  	s1 =	sld [smem:$0x3FA9]  }
0x28: {  	s2 =	sld [smem:$0x3FAA]  }
0x29: {  	s4 =	sld [smem:$0x3FAC]  }
0x2a: {  	p0 =	seq.s32 s5, $0x0;
	s5 =	sld [smem:$0x3FAD]  }
0x2b: {  	s6 =	sld [smem:$0x3FAE]  }
0x2c: {  	s7 =	sld [smem:$0x3FAF]  }
0x2d: {  	s3 =	simm.s32 $0x108;
	s8 =	sld [smem:$0x3FB0]  }
0x2e: {  	s3 =	simm.s32 @!p0 $0x1082;
	s9 =	sld [smem:$0x3FB1]  }
0x2f: {  	lr =	sadd.s32 s0, s3;
	s0 =	sld [smem:$0x3FA8]  }
0x30: {  	s3 =	sld [smem:$0x3FAB]  }
0x31: {  	[smem:$0x3FB4] =	sst s10  }
0x32: {  	s10 =	sld [smem:$0x3FB2];
	_ =	sdelay $0x3  }
0x33: {  	p0 =	seq.s32 s10, $0x1;
	s10 =	sld [smem:$0x3FB4];
	_ =	sdelay $0x3  }
0x34: {  	[smem:$0x3FB4] =	sst s10  }
0x35: {  	s10 =	sld [smem:$0x3FB3];
	_ =	sdelay $0x3  }
0x36: {  	p1 =	seq.s32 s10, $0x1;
	s10 =	sld [smem:$0x3FB4];
	_ =	sdelay $0x3  }
0x37: {  	[smem:$0x3FB4] =	sst s10  }
0x38: {  	s10 =	sld [smem:$0x3FB5]  }
0x39: {  	_ = 	snop;
	(pc) =	sbr.ind lr, $3  }
0x3a: {  	_ = 	snop  }
0x3b: {  	_ = 	snop  }
0x3c: {  	p2 =	seq.s32 s10, $0x1;
	s10 =	sld [smem:$0x3FB4]  }
0x3d: {  	_ =	shalt  }
0x3e: {  	_ =	shalt  }
0x3f: {  	_ =	shalt  }
0x40: {  	_ =	shalt  }
0x41: {  	_ =	shalt  }
0x42: {  	_ =	shalt  }
0x43: {  	_ =	shalt  }
0x44: {  	_ =	shalt  }
0x45: {  	_ =	shalt  }
0x46: {  	_ =	shalt  }
0x47: {  	_ =	shalt  }
0x48: {  	_ =	shalt  }
0x49: {  	_ =	shalt  }
0x4a: {  	_ =	shalt  }
0x4b: {  	_ =	shalt  }
0x4c: {  	_ =	shalt  }
0x4d: {  	_ =	shalt  }
0x4e: {  	_ =	shalt  }
0x4f: {  	_ =	shalt  }
0x50: {  	_ =	shalt  }
0x51: {  	_ =	shalt  }
0x52: {  	_ =	shalt  }
0x53: {  	_ =	shalt  }
0x54: {  	_ =	shalt  }
0x55: {  	_ =	shalt  }
0x56: {  	_ =	shalt  }
0x57: {  	_ =	shalt  }
0x58: {  	_ =	shalt  }
0x59: {  	_ =	shalt  }
0x5a: {  	_ =	shalt  }
0x5b: {  	_ =	shalt  }
0x5c: {  	_ =	shalt  }
0x5d: {  	_ =	shalt  }
0x5e: {  	_ =	shalt  }
0x5f: {  	_ =	shalt  }
0x60: {  	_ =	shalt  }
0x61: {  	_ =	shalt  }
0x62: {  	_ =	shalt  }
0x63: {  	_ =	shalt  }
0x64: {  	_ =	shalt  }
0x65: {  	_ =	shalt  }
0x66: {  	_ =	shalt  }
0x67: {  	_ =	shalt  }
0x68: {  	_ =	shalt  }
0x69: {  	_ =	shalt  }
0x6a: {  	_ =	shalt  }
0x6b: {  	_ =	shalt  }
0x6c: {  	_ =	shalt  }
0x6d: {  	_ =	shalt  }
0x6e: {  	_ =	shalt  }
0x6f: {  	_ =	shalt  }
0x70: {  	_ =	shalt  }
0x71: {  	_ =	shalt  }
0x72: {  	_ =	shalt  }
0x73: {  	_ =	shalt  }
0x74: {  	_ =	shalt  }
0x75: {  	_ =	shalt  }
0x76: {  	_ =	shalt  }
0x77: {  	_ =	shalt  }
0x78: {  	_ =	shalt  }
0x79: {  	_ =	shalt  }
0x7a: {  	_ =	shalt  }
0x7b: {  	_ =	shalt  }
0x7c: {  	_ =	shalt  }
0x7d: {  	_ =	shalt  }
0x7e: {  	_ =	shalt  }
0x7f: {  	_ =	shalt  }
0x80: {  	_ =	shalt  }
0x81: {  	_ =	shalt  }
0x82: {  	_ =	shalt  }
0x83: {  	_ =	shalt  }
0x84: {  	_ =	shalt  }
0x85: {  	_ =	shalt  }
0x86: {  	_ =	shalt  }
0x87: {  	_ =	shalt  }
.Lfunc_end0:
.L_simem_size_0:
called_computation_lowered:
.L_overlay_start_0:
0x88: {  	s2 =	sld [smem:$0x3FD9]  }
0x89: {  	s3 =	sld [smem:$0x3FFE];
	_ =	sdelay $0x1  }
0x8a: {  	s1 =	srdreg.scid  }
0x8b: {  	s0 =	sand.u32 $0x1, s1  }
0x8c: {  	s18 =	sshll.u32 s0, $0xA;
	s2 =	sadd.s32 s3, s2  }
0x8d: {  	s2 =	sadd.s32 s2, s18  }
0x8e: {  	[smem:$0x3FC0] =	sst s2  }
0x8f: {  	_ = 	snop  }
0x90: {  	s2 =	sld [smem:$0x3FC8]  }
0x91: {  	s19 =	sld [smem:$0x3FD0];
	(tm) =	ssettm $0x1  }
0x92: {  	s4 =	sld [smem:$0x3FFB];
	_ =	sdelay $0x3  }
0x93: {  	_ =	strace s4  }
0x94: {  	s4 =	sld [smem:$0x3FFC];
	_ =	sdelay $0x3  }
0x95: {  	_ =	strace s4  }
0x96: {  	s4 =	sld [smem:$0x3FFD];
	_ =	sdelay $0x3  }
0x97: {  	_ =	strace s4  }
0x98: {  	_ =	strace $0x8FFFFFFF  }
0x99: {  	s20 =	sld [smem:$0x3FDB];
	_ =	sdelay $0x1  }
0x9a: {  	s5 =	simm.s32 $_scs_section_size  }
0x9b: {  	s6 =	simm.s32 $_size__tile_overlayer_lowered;
	s7 =	simm.s32 $_tile_overlayer_lowered  }
0x9c: {  	s23 =	simm.s32 $0x1BFF;
	s22 =	sshll.u32 s7, $0x1;
	s4 =	sadd.s32 s5, s20  }
0x9d: {  	s8 =	simm.s32 $0x0;
	s21 =	sshll.u32 s6, $0x1;
	s6 =	sadd.s32 s22, s4  }
0x9e: {  	[timem:s8], [sflag:s23] =	dma.local [hbm:s6], s21  }
0x9f: {  	_ =	swait.ge [sflag:s23], s21  }
0xa0: {  	s5 =	ssub.s32 $0x0, s21;
	[sflag:s23] =	ssyncset.done $0x0  }
0xa1: {  	[sflag:s23] =	ssyncadd.s32 s5;
	_ =	sdelay $0x1  }
0xa2: {  	s24 =	simm.s32 $0x1B8B  }
0xa3: {  	_ =	swait.ge [sflag:s24], $0x1  }
0xa4: {  	[sflag:s24] =	ssyncset.done $0x0  }
0xa5: {  	s25 =	simm.s32 $0x1B8E;
	[sflag:s24] =	ssyncadd.s32 $0xFFFFFFFF  }
0xa6: {  	s26 =	simm.s32 $execute0_lowered;
	[smem:$0x3FD2] =	sst s25  }
0xa7: {  	s5 =	sshll.u32 s26, $0x1;
	_ =	strace $0x80000046;
	[dreg:$0x1] =	wrdreg $0xFFFFFFFF  }
0xa8: {  	s28 =	simm.s32 $_size_execute0_lowered;
	s4 =	sadd.s32 s4, s5;
	[dreg:$0x0] =	wrdreg $0x0  }
0xa9: {  	s5 =	sshll.u32 s28, $0x1;
	[dreg:$0x2] =	wrdreg s4  }
0xaa: {  	[dreg:$0x3] =	wrdreg s5  }
0xab: {  	[dreg:$0x4] =	wrdreg $0xC0  }
0xac: {  	_ =	task [dreg:s8], $0x5FFFF  }
0xad: {  	[dreg:$0x1] =	wrdreg $0xFFFFFFFF  }
0xae: {  	[dreg:$0x0] =	wrdreg $0x60  }
0xaf: {  	[dreg:$0x2] =	wrdreg s2  }
0xb0: {  	[dreg:$0x3] =	wrdreg s19  }
0xb1: {  	[dreg:$0x4] =	wrdreg $0x9  }
0xb2: {  	_ =	task.clear_ibuf [dreg:s8], $0x5FFFF;
	_ =	strace $0x90000046  }
0xb3: {  	s29 =	simm.s32 $0x9;
	_ =	strace $0x80000048  }
0xb4: {  	_ =	swait.ge [sflag:s29], $0x1  }
0xb5: {  	[sflag:s29] =	ssyncadd.s32 $0xFFFFFFFF  }
0xb6: {  	_ =	strace $0x90000048  }
0xb7: {  	_ =	sfence  }
0xb8: {  	s30 =	sld [smem:$0x0];
	_ =	sdelay $0x2  }
0xb9: {  	s31 =	sshll.u32 s1, $0xD;
	s1 =	sshrl.u32 s1, $0x2  }
0xba: {  	s3 =	sand.u32 $0x4000, s31;
	s1 =	sadd.s32 s1, s30  }
0xbb: {  	s0 =	sor.u32 s3, s0;
	s1 =	sshll.u32 s1, $0x11  }
0xbc: {  	s0 =	sor.u32 s1, s0  }
0xbd: {  	s0 =	sadd.s32 $0x8F2B, s0  }
0xbe: {  	[sflag:s0] =	ssyncadd.remote.s32 $0x1  }
0xbf: {  	_ =	sfence.sel $0xFFFF  }
0xc0: {  	[dreg:$0x0] =	wrdreg $0xFFFFFFFF;
	(pc) =	sbr.abs _section_cstart, $3  }
0xc1: {  	[dreg:$0x1] =	wrdreg $0xFFFFFFFF  }
0xc2: {  	_ =	task.clear_ibuf [dreg:s8], $0x2FFFF;
	_ =	strace $0x9FFFFFFF  }
0xc3: {  	(tm) =	ssettm $0x7FFFFFFF  }
tec
execute0_lowered:
.L_overlay_start_1:
0x0: {  	(tag) =	ssettag $0x1  }
0x1: {  	s0 =	srdreg.scid  }
0x2: {  	s4 =	sand.u32 $0x1, s0;
	s0 =	stileid.u32  }
0x3: {  	s5 =	sor.u32 s0, s4  }
0x4: {  	p0 =	sne.s32 s5, $0x0  }
.Ltmp0:
0x5: {  	_ = 	snop;
	(pc) =	sbr.rel @p0 .LBB2_3-.Ltmp0, $4  }
0x6: {  	_ = 	snop  }
0x7: {  	s2 =	rddreg [dreg:$0x0]  }
0x8: {  	s3 =	rddreg [dreg:$0x1]  }
0x9: {  	s1 =	rddreg [dreg:$0x2];
	_ =	strace $0x80000047  }
0xa: {  	s4 =	ssub.s32 $0x2, s4  }
0xb: {  	v0 =	vimm.s32 $0x0;
	v1 =	vimm.s32 $0x1;
	v2 =	vlaneseq.u32;
	s6 =	simm.s32 $0x1;
	s7 =	simm.s32 $0x80;
	s5 =	sshrl.u32 s4, $0x1  }
0xc: {  	s8 =	simm.s32 $0x100;
	v3 =	vor.u32 $0x10, v2;
	v4 =	vor.u32 $0x20, v2;
	v5 =	vor.u32 $0x30, v2;
	s4 =	ssub.s32 s4, s5;
	s5 =	simm.s32 $0x0  }
.LBB2_2:
0xd: {  	[tilespmem:s5], [sflag:$0x1] =	stream.linear.gather [hbm4b:s2+s5], $0x80, $0x38;
	[tilespmem:$0x180] =	vst v63  }
0xe: {  	_ =	swait.ge [sflag:s6], $0x80  }
0xf: {  	[sflag:s6] =	ssyncset.done $0x0  }
0x10: {  	[sflag:s6] =	ssyncadd.s32 $0xFFFFFF80  }
0x11: {  	v6 =	vld [tilespmem:$0x0];
	_ =	sdelay $0x3  }
0x12: {  	[tilespmem:$0x80] =	vst v0  }
0x13: {  	[tilespmem:$0x90] =	vst v0  }
0x14: {  	[tilespmem:$0xA0] =	vst v0  }
0x15: {  	[tilespmem:$0xB0] =	vst v0  }
0x16: {  	[tilespmem:v6+s7+$0x0] =	vst.idx.msk $0xffff, v1  }
0x17: {  	v7 =	vld [tilespmem:$0x10];
	_ =	sdelay $0x7  }
0x18: {  	[tilespmem:v7+s7+$0x0] =	vst.idx.msk $0xffff, v1  }
0x19: {  	v8 =	vld [tilespmem:$0x20];
	_ =	sdelay $0x7  }
0x1a: {  	[tilespmem:v8+s7+$0x0] =	vst.idx.msk $0xffff, v1  }
0x1b: {  	v9 =	vld [tilespmem:$0x30]  }
0x1c: {  	v6 =	vxor.u32 $0x80000000, v6  }
0x1d: {  	(xrf0) =	vmax.scan.msk.u32 $0xffff, v6;
	v6 =	vxor.u32 $0x80000000, v7  }
0x1e: {  	(xrf0) =	vmax.scan.msk.u32 $0xffff, v6  }
0x1f: {  	v6 =	vxor.u32 $0x80000000, v8  }
0x20: {  	(xrf0) =	vmax.scan.msk.u32 $0xffff, v6;
	v6 =	vxor.u32 $0x80000000, v9;
	_ =	sdelay $0x1  }
0x21: {  	(xrf0) =	vmax.scan.msk.u32 $0xffff, v6  }
0x22: {  	v6, _, _ =	vpop (xrf0)  }
0x23: {  	v7, _, _ =	vpop (xrf0);
	(v2sf) =	vpush v6, $0xF  }
0x24: {  	(v2sf) =	vpush v7, $0xF  }
0x25: {  	v6, _, _ =	vpop (xrf0)  }
0x26: {  	(v2sf) =	vpush v6, $0xF  }
0x27: {  	v6, _, _ =	vpop (xrf0)  }
0x28: {  	(v2sf) =	vpush v6, $0xF;
	_ =	sdelay $0x7  }
0x29: {  	[tilespmem:v9+s7+$0x0] =	vst.idx.msk $0xffff, v1  }
0x2a: {  	v6 =	vld [tilespmem:$0x80]  }
0x2b: {  	s9 =	spop (v2sf)  }
0x2c: {  	s10 =	spop (v2sf)  }
0x2d: {  	s9 =	sxor.u32 $0x80000000, s9;
	s10 =	sxor.u32 $0x80000000, s10  }
0x2e: {  	s11 =	spop (v2sf);
	p0 =	sgt.s32 s9, s10  }
0x2f: {  	(xrf0) =	vadd.scan.msk.s32 $0xffff, v6;
	s10 =	smov.u32 @p0 s9;
	s9 =	sxor.u32 $0x80000000, s11  }
0x30: {  	s26 =	spop (v2sf);
	p0 =	sgt.s32 s10, s9  }
0x31: {  	s9 =	smov.u32 @p0 s10;
	s10 =	sxor.u32 $0x80000000, s26  }
0x32: {  	p0 =	sgt.s32 s9, s10  }
0x33: {  	s10 =	smov.u32 @p0 s9  }
0x34: {  	p0 =	sgt.s32 s10, $0x0  }
0x35: {  	vm0 =	veq.s32 v6, $0x1;
	v7, _, _ =	vpop (xrf0);
	s10 =	simm.s32 @!p0 $0x0  }
0x36: {  	v6 =	vsub.s32 v7, v6;
	v61 =	vmov s10  }
0x37: {  	[tilespmem:$0x100] =	vst v61  }
0x38: {  	[tilespmem:$0x110] =	vst v61  }
0x39: {  	[tilespmem:$0x120] =	vst v61  }
0x3a: {  	[tilespmem:$0x130] =	vst v61  }
0x3b: {  	[tilespmem:v6+s8+$0x0] =	vst.idx.msk vm0, v2  }
0x3c: {  	v6 =	vld [tilespmem:$0x90];
	_ =	sdelay $0x4  }
0x3d: {  	(xrf0) =	vadd.scan.msk.s32 $0xffff, v6;
	_ =	sdelay $0x3  }
0x3e: {  	v62 =	vbroadcast v7, $0xF;
	_ =	sdelay $0x1  }
0x3f: {  	v8 =	vsub.s32 v62, v6;
	vm13 =	veq.s32 v6, $0x1;
	v6, _, _ =	vpop (xrf0)  }
0x40: {  	v8 =	vadd.s32 v6, v8  }
0x41: {  	(v2sf) =	vpush v7, $0xF  }
0x42: {  	(v2sf) =	vpush v6, $0xF;
	_ =	sdelay $0x2  }
0x43: {  	[tilespmem:v8+s8+$0x0] =	vst.idx.msk vm13, v3  }
0x44: {  	v6 =	vld [tilespmem:$0xA0];
	_ =	sdelay $0x4  }
0x45: {  	(xrf0) =	vadd.scan.msk.s32 $0xffff, v6;
	_ =	sdelay $0x4  }
0x46: {  	s28 =	spop (v2sf)  }
0x47: {  	s29 =	spop (v2sf);
	v7, _, _ =	vpop (xrf0)  }
0x48: {  	vm14 =	veq.s32 v6, $0x1;
	s9 =	sadd.s32 s28, s29;
	v63 =	vsub.s32 v7, v6  }
0x49: {  	v6 =	vadd.s32 s9, v63;
	_ =	sdelay $0x4  }
0x4a: {  	[tilespmem:v6+s8+$0x0] =	vst.idx.msk vm14, v4  }
0x4b: {  	v6 =	vld [tilespmem:$0xB0];
	_ =	sdelay $0x4  }
0x4c: {  	(xrf0) =	vadd.scan.msk.s32 $0xffff, v6;
	_ =	sdelay $0x1  }
0x4d: {  	(v2sf) =	vpush v7, $0xF;
	_ =	sdelay $0x3  }
0x4e: {  	v7, _, _ =	vpop (xrf0)  }
0x4f: {  	(v2sf) =	vpush v7, $0xF;
	_ =	sdelay $0x9  }
0x50: {  	s30 =	spop (v2sf)  }
0x51: {  	vm15 =	veq.s32 v6, $0x1;
	s9 =	sadd.s32 s9, s30;
	v7 =	vsub.s32 v7, v6  }
0x52: {  	v6 =	vadd.s32 s9, v7;
	_ =	sdelay $0x2  }
0x53: {  	s31 =	spop (v2sf)  }
0x54: {  	s9 =	sadd.s32 s9, s31  }
0x55: {  	p0 =	sne.s32 s4, $0x1;
	[tilespmem:v6+s8+$0x0] =	vst.idx.msk vm15, v5;
	v6 =	vmov s9  }
.Ltmp1:
0x56: {  	[tilespmem:$0x140] =	vst v6;
	(pc) =	sbr.rel @p0 .LBB2_2-.Ltmp1, $4  }
0x57: {  	[hbm4b:s3+s5] =	stream.linear.scatter [tilespmem:s8], [sflag:$0x1], $0x80, $0x38;
	[tilespmem:$0x180] =	vst v63  }
0x58: {  	_ =	swait.ge [sflag:s6], $0x80  }
0x59: {  	[sflag:s6] =	ssyncset.done $0x0  }
0x5a: {  	s4 =	sadd.s32 $0xFFFFFFFF, s4;
	[sflag:s6] =	ssyncadd.s32 $0xFFFFFF80  }
.LBB2_3:
0x5b: {  	_ =	sfence.sel $0x180000  }
0x5c: {  	[bflag:$0x0] =	sbarrier.arrive $0xFFFF  }
0x5d: {  	p0 =	sne.s32 s0, $0x0;
	_ =	strace $0x90000047  }
0x5e: {  	s0 =	sadd.s32 @!p0 $0x100000, s1;
	[bflag:$0x2] =	sbarrier.arrive $0xFFFF  }
0x5f: {  	[sflag:s0] =	ssyncadd.tile.s32 @!p0 $0x1;
	_ =	shalt  }
.Lfunc_end2:
_tile_overlayer_lowered:
.L_overlay_start_2:
0x60: {  	(tag) =	ssettag $0x2  }
0x61: {  	s0 =	rddreg [dreg:$0x0];
	s2 =	stileid.u32  }
0x62: {  	s1 =	rddreg [dreg:$0x1];
	p0 =	sne.s32 s2, $0x0  }
0x63: {  	s3 =	rddreg [dreg:$0x2];
	[bflag:$0x3] =	sbarrier.arrive $0xFFFF;
	s2 =	simm.s32 @!p0 $0x1C01  }
0x64: {  	[timem:s3], [sflag:s2] =	dma.local @!p0 [hbm:s0], s1  }
0x65: {  	s0 =	simm.s32 @!p0 $0x1  }
0x66: {  	_ =	swait.ge @!p0 [sflag:s0], s1  }
0x67: {  	s1 =	ssub.s32 @!p0 $0x0, s1;
	[sflag:s0] =	ssyncset.done @!p0 $0x0  }
0x68: {  	[sflag:s0] =	ssyncadd.s32 @!p0 s1  }
0x69: {  	[bflag:$0x3] =	sbarrier.arrive $0xFFFF  }
0x6a: {  	_ =	shalt  }

</sc_bundles>
